<compile_context>
chip_gen: v7x
topology: tpu7x:2x2x1
jax: 0.10.2.dev20260603
libtpu: 0.0.44.dev20260713+nightly
codegen_flags: <defaults>
</compile_context>

<pallas_src>
import functools

import jax
import jax.numpy as jnp
from jax import lax
from jax.experimental import pallas as pl
from jax.experimental.pallas import tpu as pltpu
from jax.experimental.pallas import tpu_sc as plsc

N = 50000
E = 800000
H1 = 4
C1 = 64
C2 = 64

_NC = 2
_NS = 16
_NW = _NC * _NS


_ROWS = (E + 127) // 128
_RPW = 200
_RPAD = _RPW * _NW
_EPAD = _RPAD * 128
_NP = N + 48
_CHUNK = 8
_NCHUNK = _RPW // _CHUNK


def _easum_body(dst_hbm, ea8_hbm, zero_hbm, out_hbm, dstbuf, eabuf, acc):
    c = lax.axis_index("c")
    s = lax.axis_index("s")
    w = c * _NS + s
    zrows = _NP // _NS
    pltpu.sync_copy(zero_hbm.at[pl.ds(s * zrows, zrows)],
                    acc.at[pl.ds(s * zrows, zrows)])
    plsc.subcore_barrier()

    def chunk_body(i, _):
        row0 = w * _RPW + i * _CHUNK
        pltpu.sync_copy(dst_hbm.at[pl.ds(row0, _CHUNK)], dstbuf)
        pltpu.sync_copy(ea8_hbm.at[pl.ds(row0 * 128, _CHUNK * 128)], eabuf)
        for j in range(_CHUNK):
            pltpu.sync_copy(eabuf.at[pl.ds(j * 128, 128)],
                            acc.at[dstbuf.at[j]], add=True)
        return 0

    lax.fori_loop(0, _NCHUNK, chunk_body, 0)
    plsc.subcore_barrier()
    frows = _NP // _NS
    pltpu.sync_copy(acc.at[pl.ds(s * frows, frows)],
                    out_hbm.at[c, pl.ds(s * frows, frows)])


@jax.jit
def _easum_sc(dst_pad, ea8_pad, zero8):
    mesh = plsc.VectorSubcoreMesh(core_axis_name="c", subcore_axis_name="s")
    f = pl.kernel(
        _easum_body,
        out_type=jax.ShapeDtypeStruct((_NC, _NP, 8), jnp.float32),
        mesh=mesh,
        scratch_types=[
            pltpu.VMEM((_CHUNK, 128), jnp.int32),
            pltpu.VMEM((_CHUNK * 128, 8), jnp.float32),
            pltpu.VMEM_SHARED((_NP, 8), jnp.float32),
        ],
        compiler_params=pltpu.CompilerParams(use_tc_tiling_on_sc=False, needs_layout_passes=False),
    )
    return f(dst_pad, ea8_pad, zero8)


def _easum_parts(edge_index, edge_attr):
    dst = edge_index[1]
    dst_pad = jnp.concatenate(
        [dst, jnp.full((_EPAD - E,), N, dtype=jnp.int32)]).reshape(_RPAD, 128)
    ea8 = jnp.concatenate(
        [edge_attr, jnp.ones((E, 1), jnp.float32), jnp.zeros((E, 1), jnp.float32)],
        axis=1)
    ea8_pad = jnp.concatenate([ea8, jnp.zeros((_EPAD - E, 8), jnp.float32)], axis=0)
    zero8 = jnp.zeros((_NP, 8), jnp.float32)
    return _easum_sc(dst_pad, ea8_pad, zero8)



_ECHUNK = 2000
_EPT = E // _NS
_NCH = _EPT // _ECHUNK


def _make_edge_pass(heads, row, ch, rounds, nn):
    fpt = ch // _NS
    feat = row - 16

    def body(src_hbm, dst_hbm, ae_hbm, xh_hbm, adst_hbm, init_hbm, out_hbm,
             srcb, dstb, aeb, adstb, matchb, gixb, scixb, gbufs, exb, sem, ssem, acc):
        c = lax.axis_index("c")
        s = lax.axis_index("s")
        iota = lax.iota(jnp.int32, 16)
        ones = jnp.ones((16,), jnp.int32)
        tailmask = (iota < heads).astype(jnp.float32)
        eh = iota // heads
        hh = iota % heads
        epg = 16 // heads

        def round_body(r, _r):
            k = 2 * r + c
            lo = pl.multiple_of(k * ch, 128)
            pltpu.sync_copy(
                init_hbm.at[pl.ds(pl.multiple_of(lo + s * fpt, 8), fpt)],
                acc.at[pl.ds(pl.multiple_of(s * fpt, 8), fpt)])
            pltpu.sync_copy(adst_hbm.at[pl.ds(pl.multiple_of(lo * heads, 8),
                                              ch * heads)],
                            adstb.at[pl.ds(0, ch * heads)])
            plsc.subcore_barrier()

            def chunk_body(ci, _c):
                base = s * _EPT + ci * _ECHUNK
                pltpu.sync_copy(src_hbm.at[pl.ds(base, _ECHUNK)],
                                srcb.at[pl.ds(0, _ECHUNK)])
                pltpu.sync_copy(dst_hbm.at[pl.ds(base, _ECHUNK)],
                                dstb.at[pl.ds(0, _ECHUNK)])
                pltpu.sync_copy(ae_hbm.at[pl.ds(base * heads, _ECHUNK * heads)],
                                aeb.at[pl.ds(0, _ECHUNK * heads)])
                dstb[pl.ds(_ECHUNK, 16)] = jnp.full((16,), ch, jnp.int32) + lo
                srcb[pl.ds(_ECHUNK, 16)] = jnp.zeros((16,), jnp.int32)
                aeb[pl.ds(_ECHUNK * heads, 16)] = jnp.zeros((16,), jnp.float32)

                def filt(v, cnt):
                    d16 = dstb[pl.ds(v * 16, 16)] - lo
                    m = (d16 >= 0) & (d16 < ch)
                    pos = cnt + plsc.cumsum(ones, mask=m) - 1
                    plsc.store_scatter(matchb, [pos], iota + v * 16, mask=m)
                    return cnt + jnp.sum(m.astype(jnp.int32))

                cnt = lax.fori_loop(0, _ECHUNK // 16, filt, 0)
                kpad = (cnt + 15) & ~15
                plsc.store_scatter(matchb, [cnt + iota],
                                   jnp.full((16,), _ECHUNK, jnp.int32),
                                   mask=iota < (kpad - cnt))

                ngroups = kpad // 16

                def start_g(g, gix, gbf, sm, scix, ssm):
                    @pl.when(g >= 2)
                    def _drain():
                        pltpu.make_async_copy(gbf, acc.at[scix], ssm).wait()
                    src16 = plsc.load_gather(
                        srcb, [plsc.load_gather(matchb, [g * 16 + iota])])
                    gix[...] = src16
                    pltpu.async_copy(xh_hbm.at[gix], gbf, sm)

                def do_group(g, gix, gbf, sm, scix, ssm):
                    pltpu.make_async_copy(xh_hbm.at[gix], gbf, sm).wait()
                    ids16 = plsc.load_gather(matchb, [g * 16 + iota])
                    dloc16 = plsc.load_gather(dstb, [ids16]) - lo
                    scix[...] = dloc16
                    for q in range(heads):
                        eq = eh + q * epg
                        idq = plsc.load_gather(matchb, [g * 16 + eq])
                        asrc = plsc.load_gather(gbf, [eq, hh + feat])
                        dq = plsc.load_gather(dstb, [idq]) - lo
                        adst = plsc.load_gather(adstb, [dq * heads + hh])
                        ae = plsc.load_gather(aeb, [idq * heads + hh])
                        a = asrc + adst + ae
                        a = jnp.maximum(a, 0.0) + 0.2 * jnp.minimum(a, 0.0)
                        exb[pl.ds(q * 16, 16)] = jnp.exp(a)
                    for e in range(16):
                        exvec = exb[pl.ds(e * heads, 16)]
                        for j in range(feat // 16):
                            sc = exvec[(j * 16) // 64]
                            gbf[e, pl.ds(j * 16, 16)] = (
                                gbf[e, pl.ds(j * 16, 16)] * sc)
                        gbf[e, pl.ds(feat, 16)] = exvec * tailmask
                    pltpu.async_copy(gbf, acc.at[scix], ssm, add=True)

                gbufA, gbufB = gbufs.at[0], gbufs.at[1]
                gixA, gixB = gixb.at[0], gixb.at[1]
                scixA, scixB = scixb.at[0], scixb.at[1]
                semA, semB = sem.at[0], sem.at[1]
                ssemA, ssemB = ssem.at[0], ssem.at[1]

                @pl.when(ngroups > 0)
                def _prime():
                    start_g(0, gixA, gbufA, semA, scixA, ssemA)

                def pair(pr, _p):
                    g0 = 2 * pr

                    @pl.when(g0 + 1 < ngroups)
                    def _startB():
                        start_g(g0 + 1, gixB, gbufB, semB, scixB, ssemB)

                    do_group(g0, gixA, gbufA, semA, scixA, ssemA)

                    @pl.when(g0 + 1 < ngroups)
                    def _doB():
                        @pl.when(g0 + 2 < ngroups)
                        def _startA():
                            start_g(g0 + 2, gixA, gbufA, semA, scixA, ssemA)

                        do_group(g0 + 1, gixB, gbufB, semB, scixB, ssemB)

                    return _p

                lax.fori_loop(0, (ngroups + 1) // 2, pair, 0)
                @pl.when(ngroups > 0)
                def _drain_last():
                    pl2 = (ngroups - 1) & 1

                    @pl.when(pl2 == 0)
                    def _dA():
                        pltpu.make_async_copy(gbufA, acc.at[scixA], ssemA).wait()

                    @pl.when(pl2 == 1)
                    def _dB():
                        pltpu.make_async_copy(gbufB, acc.at[scixB], ssemB).wait()

                @pl.when(ngroups > 1)
                def _drain_prev():
                    pl3 = (ngroups - 2) & 1

                    @pl.when(pl3 == 0)
                    def _dA2():
                        pltpu.make_async_copy(gbufA, acc.at[scixA], ssemA).wait()

                    @pl.when(pl3 == 1)
                    def _dB2():
                        pltpu.make_async_copy(gbufB, acc.at[scixB], ssemB).wait()

                return _c

            lax.fori_loop(0, _NCH, chunk_body, 0)
            plsc.subcore_barrier()
            pltpu.sync_copy(
                acc.at[pl.ds(pl.multiple_of(s * fpt, 8), fpt)],
                out_hbm.at[pl.ds(pl.multiple_of(lo + s * fpt, 8), fpt)])
            plsc.subcore_barrier()
            return _r

        lax.fori_loop(0, rounds, round_body, 0)

    mesh = plsc.VectorSubcoreMesh(core_axis_name="c", subcore_axis_name="s")
    return pl.kernel(
        body,
        out_type=jax.ShapeDtypeStruct((nn, row), jnp.float32),
        mesh=mesh,
        scratch_types=[
            pltpu.VMEM((_ECHUNK + 16,), jnp.int32),
            pltpu.VMEM((_ECHUNK + 16,), jnp.int32),
            pltpu.VMEM((_ECHUNK * heads + 16,), jnp.float32),
            pltpu.VMEM(((ch + 8) * heads,), jnp.float32),
            pltpu.VMEM((_ECHUNK + 16,), jnp.int32),
            pltpu.VMEM((2, 16), jnp.int32),
            pltpu.VMEM((2, 16), jnp.int32),
            pltpu.VMEM((2, 16, row), jnp.float32),
            pltpu.VMEM((16 * heads + 16,), jnp.float32),
            pltpu.SemaphoreType.DMA((2,)),
            pltpu.SemaphoreType.DMA((2,)),
            pltpu.VMEM_SHARED((ch + 8, row), jnp.float32),
        ],
        compiler_params=pltpu.CompilerParams(use_tc_tiling_on_sc=False, needs_layout_passes=False),
    )


_CH1, _R1, _NN1 = 5120, 5, 51200
_CH2, _R2, _NN2 = 12544, 2, 50176
_EP1 = _make_edge_pass(H1, H1 * C1 + 16, _CH1, _R1, _NN1)
_EP2 = _make_edge_pass(1, C2 + 16, _CH2, _R2, _NN2)



_BLK = 1000
_EBLK = 10000


def _prol_body(x_ref, w_ref, as_ref, ad_ref, xe_ref, adst_ref):
    xh = jnp.dot(x_ref[...], w_ref[...], preferred_element_type=jnp.float32)
    asrc = jnp.dot(xh, as_ref[...], preferred_element_type=jnp.float32)
    h = as_ref.shape[1]
    xe_ref[...] = jnp.concatenate(
        [xh, asrc, jnp.zeros((xh.shape[0], 16 - h), jnp.float32)], axis=1)
    adst_ref[...] = jnp.dot(xh, ad_ref[...], preferred_element_type=jnp.float32)


def _prologue_tc(x, W, AS, AD):
    din, f = W.shape
    h = AS.shape[1]
    row = f + 16
    return pl.pallas_call(
        _prol_body,
        grid=(N // _BLK,),
        in_specs=[pl.BlockSpec((_BLK, din), lambda i: (i, 0)),
                  pl.BlockSpec((din, f), lambda i: (0, 0)),
                  pl.BlockSpec((f, h), lambda i: (0, 0)),
                  pl.BlockSpec((f, h), lambda i: (0, 0))],
        out_specs=[pl.BlockSpec((_BLK, row), lambda i: (i, 0)),
                   pl.BlockSpec((_BLK, h), lambda i: (i, 0))],
        out_shape=[jax.ShapeDtypeStruct((N, row), jnp.float32),
                   jax.ShapeDtypeStruct((N, h), jnp.float32)],
    )(x, W, AS, AD)


def _ae_body(ea_ref, v1_ref, v2_ref, o1_ref, o2_ref):
    ea = ea_ref[...]
    o1_ref[...] = jnp.dot(ea, v1_ref[...], preferred_element_type=jnp.float32)
    o2_ref[...] = jnp.dot(ea, v2_ref[...], preferred_element_type=jnp.float32)


def _ae_edge_tc(ea, Ve1, Ve2):
    return pl.pallas_call(
        _ae_body,
        grid=(E // _EBLK,),
        in_specs=[pl.BlockSpec((_EBLK, 6), lambda i: (i, 0)),
                  pl.BlockSpec((6, H1), lambda i: (0, 0)),
                  pl.BlockSpec((6, 1), lambda i: (0, 0))],
        out_specs=[pl.BlockSpec((_EBLK, H1), lambda i: (i, 0)),
                   pl.BlockSpec((_EBLK, 1), lambda i: (i, 0))],
        out_shape=[jax.ShapeDtypeStruct((E, H1), jnp.float32),
                   jax.ShapeDtypeStruct((E, 1), jnp.float32)],
    )(ea, Ve1, Ve2)


def _aeloop_body(p_ref, v1_ref, v2_ref, o1_ref, o2_ref):
    p = p_ref[0] + p_ref[1]
    mean6 = p[:, :6] / jnp.clip(p[:, 6:7], 1.0, None)
    o1_ref[...] = jnp.dot(mean6, v1_ref[...], preferred_element_type=jnp.float32)
    o2_ref[...] = jnp.dot(mean6, v2_ref[...], preferred_element_type=jnp.float32)


def _aeloop_tc(parts, Ve1, Ve2):
    return pl.pallas_call(
        _aeloop_body,
        grid=(N // _BLK,),
        in_specs=[pl.BlockSpec((2, _BLK, 8), lambda i: (0, i, 0)),
                  pl.BlockSpec((6, H1), lambda i: (0, 0)),
                  pl.BlockSpec((6, 1), lambda i: (0, 0))],
        out_specs=[pl.BlockSpec((_BLK, H1), lambda i: (i, 0)),
                   pl.BlockSpec((_BLK, 1), lambda i: (i, 0))],
        out_shape=[jax.ShapeDtypeStruct((N, H1), jnp.float32),
                   jax.ShapeDtypeStruct((N, 1), jnp.float32)],
    )(parts, Ve1, Ve2)


def _make_epi_body(heads, out_ch, relu):
    feat = heads * out_ch

    def body(oe_ref, xe_ref, adst_ref, ael_ref, b_ref, g_ref, be_ref, o_ref):
        xe = xe_ref[...]
        oe = oe_ref[...]
        asrc = xe[:, feat:feat + heads]
        alpha = asrc + adst_ref[...] + ael_ref[...]
        alpha = jnp.maximum(alpha, 0.0) + 0.2 * jnp.minimum(alpha, 0.0)
        exl = jnp.exp(alpha)
        parts = []
        for hh in range(heads):
            xhh = xe[:, hh * out_ch:(hh + 1) * out_ch]
            numh = oe[:, hh * out_ch:(hh + 1) * out_ch] + xhh * exl[:, hh:hh + 1]
            denh = oe[:, feat + hh:feat + hh + 1] + exl[:, hh:hh + 1]
            parts.append(numh / (denh + 1e-16))
        o = jnp.concatenate(parts, axis=1) if heads > 1 else parts[0]
        o = o + b_ref[...]
        mu = jnp.mean(o, axis=-1, keepdims=True)
        var = jnp.mean((o - mu) ** 2, axis=-1, keepdims=True)
        o = (o - mu) / jnp.sqrt(var + 1e-5) * g_ref[...] + be_ref[...]
        if relu:
            o = jnp.maximum(o, 0.0)
        o_ref[...] = o

    return body


def _epilogue_tc(oe, xe, adst, ael, b, g, be, heads, out_ch, relu):
    feat = heads * out_ch
    row = feat + 16
    nn = oe.shape[0]
    return pl.pallas_call(
        _make_epi_body(heads, out_ch, relu),
        grid=(N // _BLK,),
        in_specs=[pl.BlockSpec((_BLK, row), lambda i: (i, 0)),
                  pl.BlockSpec((_BLK, row), lambda i: (i, 0)),
                  pl.BlockSpec((_BLK, heads), lambda i: (i, 0)),
                  pl.BlockSpec((_BLK, heads), lambda i: (i, 0)),
                  pl.BlockSpec((feat,), lambda i: (0,)),
                  pl.BlockSpec((feat,), lambda i: (0,)),
                  pl.BlockSpec((feat,), lambda i: (0,))],
        out_specs=pl.BlockSpec((_BLK, feat), lambda i: (i, 0)),
        out_shape=jax.ShapeDtypeStruct((N, feat), jnp.float32),
    )(oe, xe, adst, ael, b, g, be)


def _fold(att):
    h = att.shape[0]
    return (jnp.eye(h, dtype=jnp.float32)[:, None, :]
            * att[:, :, None]).reshape(-1, h)


def kernel(x, edge_index, edge_attr, W1, as1, ad1, We1, ae1, b1, g1, be1,
           W2, as2, ad2, We2, ae2, b2, g2, be2):
    src, dst = edge_index[0], edge_index[1]
    Ve1 = (We1.reshape(6, H1, C1) * ae1).sum(-1)
    Ve2 = (We2.reshape(6, 1, C2) * ae2).sum(-1)

    parts = _easum_parts(edge_index, edge_attr)
    ael1, ael2 = _aeloop_tc(parts, Ve1, Ve2)
    aee1, aee2 = _ae_edge_tc(edge_attr, Ve1, Ve2)

    xe1, adst1 = _prologue_tc(x, W1, _fold(as1), _fold(ad1))
    adst1_flat = jnp.concatenate(
        [adst1.reshape(-1), jnp.zeros(((_NN1 - N) * H1,), jnp.float32)])
    oe1 = _EP1(src, dst, aee1.reshape(-1), xe1, adst1_flat,
               jnp.zeros((_NN1, H1 * C1 + 16), jnp.float32))
    h1 = _epilogue_tc(oe1, xe1, adst1, ael1, b1, g1, be1, H1, C1, True)

    xe2, adst2 = _prologue_tc(h1, W2, _fold(as2), _fold(ad2))
    adst2_flat = jnp.concatenate(
        [adst2.reshape(-1), jnp.zeros((_NN2 - N,), jnp.float32)])
    oe2 = _EP2(src, dst, aee2.reshape(-1), xe2, adst2_flat,
               jnp.zeros((_NN2, C2 + 16), jnp.float32))
    return _epilogue_tc(oe2, xe2, adst2, ael2, b2, g2, be2, 1, C2, False)

# --- scband reference (transcript-rebuilt; emitter-appended) ---
"""Pipeline reference for scband-gatextract-part-18176301596820 (READ-ONLY COPY).

The authoritative reference and input builder live on the scoring server;
editing this copy changes nothing except your own understanding.
"""

import jax, jax.numpy as jnp
import numpy as np

N = 50000
E = 800000
D_IN = 55
D_E = 6
H1 = 4
C1 = 64
C2 = 64


def _add_self_loops(edge_index, edge_attr, num_nodes):
    # PyG fill_value='mean': self-loop edge_attr = mean of incoming edge_attr per dst node
    dst = edge_index[1]
    sums = jnp.zeros((num_nodes, edge_attr.shape[1]), dtype=edge_attr.dtype).at[dst].add(edge_attr)
    cnt = jnp.zeros((num_nodes,), dtype=edge_attr.dtype).at[dst].add(1.0)
    mean = sums / jnp.clip(cnt, 1.0, None)[:, None]
    loop = jnp.arange(num_nodes, dtype=edge_index.dtype)
    ei = jnp.concatenate([edge_index, jnp.stack([loop, loop])], axis=1)
    ea = jnp.concatenate([edge_attr, mean], axis=0)
    return ei, ea


def _gat_conv(x, edge_index, edge_attr, W, att_src, att_dst, W_e, att_e, bias, heads, out_ch, concat, num_nodes):
    ei, ea = _add_self_loops(edge_index, edge_attr, num_nodes)
    src, dst = ei[0], ei[1]
    xh = (x @ W).reshape(num_nodes, heads, out_ch)
    a_src = jnp.sum(xh * att_src, axis=-1)  # [N, H]
    a_dst = jnp.sum(xh * att_dst, axis=-1)
    eh = (ea @ W_e).reshape(-1, heads, out_ch)
    a_e = jnp.sum(eh * att_e, axis=-1)      # [E', H]
    alpha = a_src[src] + a_dst[dst] + a_e
    alpha = jax.nn.leaky_relu(alpha, 0.2)
    amax = jax.ops.segment_max(alpha, dst, num_segments=num_nodes)
    amax = jnp.where(jnp.isfinite(amax), amax, 0.0)
    ex = jnp.exp(alpha - amax[dst])
    den = jax.ops.segment_sum(ex, dst, num_segments=num_nodes)
    att = ex / (den[dst] + 1e-16)
    msg = xh[src] * att[:, :, None]
    out = jax.ops.segment_sum(msg, dst, num_segments=num_nodes)  # [N, H, C]
    if concat:
        out = out.reshape(num_nodes, heads * out_ch)
    else:
        out = out.mean(axis=1)
    return out + bias


def _layer_norm(x, g, b, eps=1e-5):
    mu = x.mean(-1, keepdims=True)
    var = x.var(-1, keepdims=True)
    return (x - mu) / jnp.sqrt(var + eps) * g + b


def _forward(x, edge_index, edge_attr, p):
    h = _gat_conv(x, edge_index, edge_attr, p['W1'], p['as1'], p['ad1'], p['We1'], p['ae1'], p['b1'], H1, C1, True, N)
    h = _layer_norm(h, p['g1'], p['be1'])
    h = jax.nn.relu(h)
    h = _gat_conv(h, edge_index, edge_attr, p['W2'], p['as2'], p['ad2'], p['We2'], p['ae2'], p['b2'], 1, C2, False, N)
    h = _layer_norm(h, p['g2'], p['be2'])
    return h


def setup_inputs(seed: int = 0):
    key = jax.random.key(seed)
    ks = jax.random.split(key, 20)
    x = jax.random.normal(ks[0], (N, D_IN), dtype=jnp.float32)
    edge_index = jax.random.randint(ks[1], (2, E), 0, N, dtype=jnp.int32)
    edge_attr = jax.random.uniform(ks[2], (E, D_E), dtype=jnp.float32)
    s = 0.05
    inp = {
        'x': x, 'edge_index': edge_index, 'edge_attr': edge_attr,
        'W1': jax.random.normal(ks[3], (D_IN, H1 * C1), dtype=jnp.float32) * s,
        'as1': jax.random.normal(ks[4], (H1, C1), dtype=jnp.float32) * s,
        'ad1': jax.random.normal(ks[5], (H1, C1), dtype=jnp.float32) * s,
        'We1': jax.random.normal(ks[6], (D_E, H1 * C1), dtype=jnp.float32) * s,
        'ae1': jax.random.normal(ks[7], (H1, C1), dtype=jnp.float32) * s,
        'b1': jnp.zeros((H1 * C1,), dtype=jnp.float32),
        'g1': jnp.ones((H1 * C1,), dtype=jnp.float32),
        'be1': jnp.zeros((H1 * C1,), dtype=jnp.float32),
        'W2': jax.random.normal(ks[8], (H1 * C1, C2), dtype=jnp.float32) * s,
        'as2': jax.random.normal(ks[9], (1, C2), dtype=jnp.float32) * s,
        'ad2': jax.random.normal(ks[10], (1, C2), dtype=jnp.float32) * s,
        'We2': jax.random.normal(ks[11], (D_E, C2), dtype=jnp.float32) * s,
        'ae2': jax.random.normal(ks[12], (1, C2), dtype=jnp.float32) * s,
        'b2': jnp.zeros((C2,), dtype=jnp.float32),
        'g2': jnp.ones((C2,), dtype=jnp.float32),
        'be2': jnp.zeros((C2,), dtype=jnp.float32),
    }
    return inp


def reference(x, edge_index, edge_attr, W1, as1, ad1, We1, ae1, b1, g1, be1, W2, as2, ad2, We2, ae2, b2, g2, be2):
    p = {'W1': W1, 'as1': as1, 'ad1': ad1, 'We1': We1, 'ae1': ae1, 'b1': b1, 'g1': g1, 'be1': be1,
         'W2': W2, 'as2': as2, 'ad2': ad2, 'We2': We2, 'ae2': ae2, 'b2': b2, 'g2': g2, 'be2': be2}
    return _forward(x, edge_index, edge_attr, p)

if __name__ == "__main__":
    import jax
    _d = setup_inputs()
    print(jax.jit(kernel)(*tuple(_d.values())))

</pallas_src>

<mosaic_0001>
#map = affine_map<(d0, d1) -> (0, 0)>
#map1 = affine_map<(d0, d1) -> (0, 0, 0)>
module attributes {stable_mosaic.version = 14 : i64} {
  func.func @_easum_body(%arg0: i32, %arg1: i32, %arg2: memref<6400x128xi32, #tpu.memory_space<hbm>>, %arg3: memref<819200x8xf32, #tpu.memory_space<hbm>>, %arg4: memref<50048x8xf32, #tpu.memory_space<hbm>>, %arg5: memref<2x50048x8xf32, #tpu.memory_space<hbm>>, %arg6: memref<8x128xi32, #tpu.memory_space<vmem>>, %arg7: memref<1024x8xf32, #tpu.memory_space<vmem>>, %arg8: memref<50048x8xf32, #tpu.memory_space<vmem_shared>>) attributes {dimension_semantics = [#tpu.dimension_semantics<core_parallel>, #tpu.dimension_semantics<subcore_parallel>], iteration_bounds = array<i64: 2, 16>, scalar_prefetch = 0 : i64, scratch_operands = 3 : i64, tpu.core_type = #tpu.core_type<sc_vector_subcore>, window_params = [{transform_indices = #map}, {transform_indices = #map}, {transform_indices = #map}, {transform_indices = #map1}]} {
    %mul3A = arith.constant 16 : i32
    %mul3A_0 = arith.muli %arg0, %mul3A : i32
    %add3A = arith.addi %mul3A_0, %arg1 : i32
    %mul3A_1 = arith.constant 3128 : i32
    %mul3A_2 = arith.muli %arg1, %mul3A_1 : i32
    %mul3A_3 = arith.constant 3128 : i32
    %mul3A_4 = arith.muli %arg1, %mul3A_3 : i32
    "tpu.region"() ({
      %run_scoped3A = tpu.sem_alloc : memref<!tpu.dma_semaphore, #tpu.memory_space<semaphore_mem>>
      %dma_start3A = arith.constant 0 : i32
      %dma_start3A_16 = tpu.memref_slice %arg8[%mul3A_4, %dma_start3A] : memref<50048x8xf32, #tpu.memory_space<vmem_shared>> -> memref<3128x8xf32, #tpu.memory_space<vmem_shared>>
      %dma_start3A_17 = arith.constant 0 : i32
      %dma_start3A_18 = tpu.memref_slice %arg4[%mul3A_2, %dma_start3A_17] : memref<50048x8xf32, #tpu.memory_space<hbm>> -> memref<3128x8xf32, #tpu.memory_space<hbm>>
      tpu.enqueue_dma source(%dma_start3A_18 : memref<3128x8xf32, #tpu.memory_space<hbm>>) target(%dma_start3A_16 : memref<3128x8xf32, #tpu.memory_space<vmem_shared>>) target_semaphore(%run_scoped3A : memref<!tpu.dma_semaphore, #tpu.memory_space<semaphore_mem>>)
      %dma_wait3A = arith.constant 0 : i32
      %dma_wait3A_19 = tpu.memref_slice %arg8[%mul3A_4, %dma_wait3A] : memref<50048x8xf32, #tpu.memory_space<vmem_shared>> -> memref<3128x8xf32, #tpu.memory_space<vmem_shared>>
      %dma_wait3A_20 = arith.constant 0 : i32
      %dma_wait3A_21 = tpu.memref_slice %arg4[%mul3A_2, %dma_wait3A_20] : memref<50048x8xf32, #tpu.memory_space<hbm>> -> memref<3128x8xf32, #tpu.memory_space<hbm>>
      tpu.wait_dma2 semaphore(%run_scoped3A : memref<!tpu.dma_semaphore, #tpu.memory_space<semaphore_mem>>) src(%dma_wait3A_21 : memref<3128x8xf32, #tpu.memory_space<hbm>>) dst(%dma_wait3A_19 : memref<3128x8xf32, #tpu.memory_space<vmem_shared>>)
      tpu.yield
    }) : () -> ()
    %barrier3A = arith.constant 0 : index
    tpu.barrier barrier_id(%barrier3A)
    %scan3A = arith.constant 0 : i32
    %scan3A_5 = arith.constant 0 : i32
    %scan3A_6 = arith.constant 25 : i32
    %scan3A_7 = arith.addi %scan3A_5, %scan3A_6 : i32
    %scan3A_8 = arith.constant 1 : i32
    %scan3A_9 = scf.for %scan3A_16 = %scan3A_5 to %scan3A_7 step %scan3A_8 iter_args(%scan3A_17 = %scan3A) -> (i32)  : i32 {
      %mul3A_18 = arith.constant 200 : i32
      %mul3A_19 = arith.muli %add3A, %mul3A_18 : i32
      %mul3A_20 = arith.constant 8 : i32
      %mul3A_21 = arith.muli %scan3A_16, %mul3A_20 : i32
      %add3A_22 = arith.addi %mul3A_19, %mul3A_21 : i32
      "tpu.region"() ({
        %run_scoped3A_33 = tpu.sem_alloc : memref<!tpu.dma_semaphore, #tpu.memory_space<semaphore_mem>>
        %dma_start3A = arith.constant 0 : i32
        %dma_start3A_34 = tpu.memref_slice %arg2[%add3A_22, %dma_start3A] : memref<6400x128xi32, #tpu.memory_space<hbm>> -> memref<8x128xi32, #tpu.memory_space<hbm>>
        %dma_start3A_35 = arith.constant 0 : i32
        %dma_start3A_36 = tpu.memref_slice %arg2[%add3A_22, %dma_start3A_35] : memref<6400x128xi32, #tpu.memory_space<hbm>> -> memref<8x128xi32, #tpu.memory_space<hbm>>
        tpu.enqueue_dma source(%dma_start3A_36 : memref<8x128xi32, #tpu.memory_space<hbm>>) target(%arg6 : memref<8x128xi32, #tpu.memory_space<vmem>>) target_semaphore(%run_scoped3A_33 : memref<!tpu.dma_semaphore, #tpu.memory_space<semaphore_mem>>)
        %dma_wait3A = arith.constant 0 : i32
        %dma_wait3A_37 = tpu.memref_slice %arg2[%add3A_22, %dma_wait3A] : memref<6400x128xi32, #tpu.memory_space<hbm>> -> memref<8x128xi32, #tpu.memory_space<hbm>>
        %dma_wait3A_38 = arith.constant 0 : i32
        %dma_wait3A_39 = tpu.memref_slice %arg2[%add3A_22, %dma_wait3A_38] : memref<6400x128xi32, #tpu.memory_space<hbm>> -> memref<8x128xi32, #tpu.memory_space<hbm>>
        tpu.wait_dma2 semaphore(%run_scoped3A_33 : memref<!tpu.dma_semaphore, #tpu.memory_space<semaphore_mem>>) src(%dma_wait3A_39 : memref<8x128xi32, #tpu.memory_space<hbm>>) dst(%arg6 : memref<8x128xi32, #tpu.memory_space<vmem>>)
        tpu.yield
      }) : () -> ()
      %mul3A_23 = arith.constant 128 : i32
      %mul3A_24 = arith.muli %add3A_22, %mul3A_23 : i32
      "tpu.region"() ({
        %run_scoped3A_33 = tpu.sem_alloc : memref<!tpu.dma_semaphore, #tpu.memory_space<semaphore_mem>>
        %dma_start3A = arith.constant 0 : i32
        %dma_start3A_34 = tpu.memref_slice %arg3[%mul3A_24, %dma_start3A] : memref<819200x8xf32, #tpu.memory_space<hbm>> -> memref<1024x8xf32, #tpu.memory_space<hbm>>
        %dma_start3A_35 = arith.constant 0 : i32
        %dma_start3A_36 = tpu.memref_slice %arg3[%mul3A_24, %dma_start3A_35] : memref<819200x8xf32, #tpu.memory_space<hbm>> -> memref<1024x8xf32, #tpu.memory_space<hbm>>
        tpu.enqueue_dma source(%dma_start3A_36 : memref<1024x8xf32, #tpu.memory_space<hbm>>) target(%arg7 : memref<1024x8xf32, #tpu.memory_space<vmem>>) target_semaphore(%run_scoped3A_33 : memref<!tpu.dma_semaphore, #tpu.memory_space<semaphore_mem>>)
        %dma_wait3A = arith.constant 0 : i32
        %dma_wait3A_37 = tpu.memref_slice %arg3[%mul3A_24, %dma_wait3A] : memref<819200x8xf32, #tpu.memory_space<hbm>> -> memref<1024x8xf32, #tpu.memory_space<hbm>>
        %dma_wait3A_38 = arith.constant 0 : i32
        %dma_wait3A_39 = tpu.memref_slice %arg3[%mul3A_24, %dma_wait3A_38] : memref<819200x8xf32, #tpu.memory_space<hbm>> -> memref<1024x8xf32, #tpu.memory_space<hbm>>
        tpu.wait_dma2 semaphore(%run_scoped3A_33 : memref<!tpu.dma_semaphore, #tpu.memory_space<semaphore_mem>>) src(%dma_wait3A_39 : memref<1024x8xf32, #tpu.memory_space<hbm>>) dst(%arg7 : memref<1024x8xf32, #tpu.memory_space<vmem>>)
        tpu.yield
      }) : () -> ()
      %run_scoped3A = arith.constant 0 : i32
      "tpu.region"() ({
        %run_scoped3A_33 = tpu.sem_alloc : memref<!tpu.dma_semaphore, #tpu.memory_space<semaphore_mem>>
        %dma_start3A = arith.constant 0 : i32
        %dma_start3A_34 = arith.constant 0 : i32
        %dma_start3A_35 = tpu.memref_slice %arg7[%dma_start3A, %dma_start3A_34] : memref<1024x8xf32, #tpu.memory_space<vmem>> -> memref<128x8xf32, #tpu.memory_space<vmem>>
        %dma_start3A_36 = arith.constant 0 : i32
        %dma_start3A_37 = tpu.memref_slice %arg6[%run_scoped3A, %dma_start3A_36] : memref<8x128xi32, #tpu.memory_space<vmem>> -> memref<1x128xi32, #tpu.memory_space<vmem>>
        %dma_start3A_38 = tpu.memref_squeeze %dma_start3A_37 : memref<1x128xi32, #tpu.memory_space<vmem>> -> memref<128xi32, #tpu.memory_space<vmem>>
        %dma_start3A_39 = arith.constant 0 : i32
        %dma_start3A_40 = arith.constant 0 : i32
        %dma_start3A_41 = tpu.memref_slice %arg8[%dma_start3A_39, %dma_start3A_40] : memref<50048x8xf32, #tpu.memory_space<vmem_shared>> -> memref<50048x8xf32, #tpu.memory_space<vmem_shared>>
        tpu.enqueue_indirect_dma source(%dma_start3A_35 : memref<128x8xf32, #tpu.memory_space<vmem>>) target(%dma_start3A_41 : memref<50048x8xf32, #tpu.memory_space<vmem_shared>>) offsets(%dma_start3A_38 : memref<128xi32, #tpu.memory_space<vmem>>) semaphore(%run_scoped3A_33 : memref<!tpu.dma_semaphore, #tpu.memory_space<semaphore_mem>>) {add = true}
        %dma_wait3A = arith.constant 0 : i32
        %dma_wait3A_42 = arith.constant 0 : i32
        %dma_wait3A_43 = tpu.memref_slice %arg7[%dma_wait3A, %dma_wait3A_42] : memref<1024x8xf32, #tpu.memory_space<vmem>> -> memref<128x8xf32, #tpu.memory_space<vmem>>
        %dma_wait3A_44 = arith.constant 0 : i32
        %dma_wait3A_45 = tpu.memref_slice %arg6[%run_scoped3A, %dma_wait3A_44] : memref<8x128xi32, #tpu.memory_space<vmem>> -> memref<1x128xi32, #tpu.memory_space<vmem>>
        %dma_wait3A_46 = tpu.memref_squeeze %dma_wait3A_45 : memref<1x128xi32, #tpu.memory_space<vmem>> -> memref<128xi32, #tpu.memory_space<vmem>>
        %dma_wait3A_47 = arith.constant 0 : i32
        %dma_wait3A_48 = arith.constant 0 : i32
        %dma_wait3A_49 = tpu.memref_slice %arg8[%dma_wait3A_47, %dma_wait3A_48] : memref<50048x8xf32, #tpu.memory_space<vmem_shared>> -> memref<50048x8xf32, #tpu.memory_space<vmem_shared>>
        tpu.wait_indirect_dma semaphore(%run_scoped3A_33 : memref<!tpu.dma_semaphore, #tpu.memory_space<semaphore_mem>>) src(%dma_wait3A_43 : memref<128x8xf32, #tpu.memory_space<vmem>>) dst(%dma_wait3A_49 : memref<50048x8xf32, #tpu.memory_space<vmem_shared>>)
        tpu.yield
      }) : () -> ()
      %run_scoped3A_25 = arith.constant 1 : i32
      "tpu.region"() ({
        %run_scoped3A_33 = tpu.sem_alloc : memref<!tpu.dma_semaphore, #tpu.memory_space<semaphore_mem>>
        %dma_start3A = arith.constant 128 : i32
        %dma_start3A_34 = arith.constant 0 : i32
        %dma_start3A_35 = tpu.memref_slice %arg7[%dma_start3A, %dma_start3A_34] : memref<1024x8xf32, #tpu.memory_space<vmem>> -> memref<128x8xf32, #tpu.memory_space<vmem>>
        %dma_start3A_36 = arith.constant 0 : i32
        %dma_start3A_37 = tpu.memref_slice %arg6[%run_scoped3A_25, %dma_start3A_36] : memref<8x128xi32, #tpu.memory_space<vmem>> -> memref<1x128xi32, #tpu.memory_space<vmem>>
        %dma_start3A_38 = tpu.memref_squeeze %dma_start3A_37 : memref<1x128xi32, #tpu.memory_space<vmem>> -> memref<128xi32, #tpu.memory_space<vmem>>
        %dma_start3A_39 = arith.constant 0 : i32
        %dma_start3A_40 = arith.constant 0 : i32
        %dma_start3A_41 = tpu.memref_slice %arg8[%dma_start3A_39, %dma_start3A_40] : memref<50048x8xf32, #tpu.memory_space<vmem_shared>> -> memref<50048x8xf32, #tpu.memory_space<vmem_shared>>
        tpu.enqueue_indirect_dma source(%dma_start3A_35 : memref<128x8xf32, #tpu.memory_space<vmem>>) target(%dma_start3A_41 : memref<50048x8xf32, #tpu.memory_space<vmem_shared>>) offsets(%dma_start3A_38 : memref<128xi32, #tpu.memory_space<vmem>>) semaphore(%run_scoped3A_33 : memref<!tpu.dma_semaphore, #tpu.memory_space<semaphore_mem>>) {add = true}
        %dma_wait3A = arith.constant 128 : i32
        %dma_wait3A_42 = arith.constant 0 : i32
        %dma_wait3A_43 = tpu.memref_slice %arg7[%dma_wait3A, %dma_wait3A_42] : memref<1024x8xf32, #tpu.memory_space<vmem>> -> memref<128x8xf32, #tpu.memory_space<vmem>>
        %dma_wait3A_44 = arith.constant 0 : i32
        %dma_wait3A_45 = tpu.memref_slice %arg6[%run_scoped3A_25, %dma_wait3A_44] : memref<8x128xi32, #tpu.memory_space<vmem>> -> memref<1x128xi32, #tpu.memory_space<vmem>>
        %dma_wait3A_46 = tpu.memref_squeeze %dma_wait3A_45 : memref<1x128xi32, #tpu.memory_space<vmem>> -> memref<128xi32, #tpu.memory_space<vmem>>
        %dma_wait3A_47 = arith.constant 0 : i32
        %dma_wait3A_48 = arith.constant 0 : i32
        %dma_wait3A_49 = tpu.memref_slice %arg8[%dma_wait3A_47, %dma_wait3A_48] : memref<50048x8xf32, #tpu.memory_space<vmem_shared>> -> memref<50048x8xf32, #tpu.memory_space<vmem_shared>>
        tpu.wait_indirect_dma semaphore(%run_scoped3A_33 : memref<!tpu.dma_semaphore, #tpu.memory_space<semaphore_mem>>) src(%dma_wait3A_43 : memref<128x8xf32, #tpu.memory_space<vmem>>) dst(%dma_wait3A_49 : memref<50048x8xf32, #tpu.memory_space<vmem_shared>>)
        tpu.yield
      }) : () -> ()
      %run_scoped3A_26 = arith.constant 2 : i32
      "tpu.region"() ({
        %run_scoped3A_33 = tpu.sem_alloc : memref<!tpu.dma_semaphore, #tpu.memory_space<semaphore_mem>>
        %dma_start3A = arith.constant 256 : i32
        %dma_start3A_34 = arith.constant 0 : i32
        %dma_start3A_35 = tpu.memref_slice %arg7[%dma_start3A, %dma_start3A_34] : memref<1024x8xf32, #tpu.memory_space<vmem>> -> memref<128x8xf32, #tpu.memory_space<vmem>>
        %dma_start3A_36 = arith.constant 0 : i32
        %dma_start3A_37 = tpu.memref_slice %arg6[%run_scoped3A_26, %dma_start3A_36] : memref<8x128xi32, #tpu.memory_space<vmem>> -> memref<1x128xi32, #tpu.memory_space<vmem>>
        %dma_start3A_38 = tpu.memref_squeeze %dma_start3A_37 : memref<1x128xi32, #tpu.memory_space<vmem>> -> memref<128xi32, #tpu.memory_space<vmem>>
        %dma_start3A_39 = arith.constant 0 : i32
        %dma_start3A_40 = arith.constant 0 : i32
        %dma_start3A_41 = tpu.memref_slice %arg8[%dma_start3A_39, %dma_start3A_40] : memref<50048x8xf32, #tpu.memory_space<vmem_shared>> -> memref<50048x8xf32, #tpu.memory_space<vmem_shared>>
        tpu.enqueue_indirect_dma source(%dma_start3A_35 : memref<128x8xf32, #tpu.memory_space<vmem>>) target(%dma_start3A_41 : memref<50048x8xf32, #tpu.memory_space<vmem_shared>>) offsets(%dma_start3A_38 : memref<128xi32, #tpu.memory_space<vmem>>) semaphore(%run_scoped3A_33 : memref<!tpu.dma_semaphore, #tpu.memory_space<semaphore_mem>>) {add = true}
        %dma_wait3A = arith.constant 256 : i32
        %dma_wait3A_42 = arith.constant 0 : i32
        %dma_wait3A_43 = tpu.memref_slice %arg7[%dma_wait3A, %dma_wait3A_42] : memref<1024x8xf32, #tpu.memory_space<vmem>> -> memref<128x8xf32, #tpu.memory_space<vmem>>
        %dma_wait3A_44 = arith.constant 0 : i32
        %dma_wait3A_45 = tpu.memref_slice %arg6[%run_scoped3A_26, %dma_wait3A_44] : memref<8x128xi32, #tpu.memory_space<vmem>> -> memref<1x128xi32, #tpu.memory_space<vmem>>
        %dma_wait3A_46 = tpu.memref_squeeze %dma_wait3A_45 : memref<1x128xi32, #tpu.memory_space<vmem>> -> memref<128xi32, #tpu.memory_space<vmem>>
        %dma_wait3A_47 = arith.constant 0 : i32
        %dma_wait3A_48 = arith.constant 0 : i32
        %dma_wait3A_49 = tpu.memref_slice %arg8[%dma_wait3A_47, %dma_wait3A_48] : memref<50048x8xf32, #tpu.memory_space<vmem_shared>> -> memref<50048x8xf32, #tpu.memory_space<vmem_shared>>
        tpu.wait_indirect_dma semaphore(%run_scoped3A_33 : memref<!tpu.dma_semaphore, #tpu.memory_space<semaphore_mem>>) src(%dma_wait3A_43 : memref<128x8xf32, #tpu.memory_space<vmem>>) dst(%dma_wait3A_49 : memref<50048x8xf32, #tpu.memory_space<vmem_shared>>)
        tpu.yield
      }) : () -> ()
      %run_scoped3A_27 = arith.constant 3 : i32
      "tpu.region"() ({
        %run_scoped3A_33 = tpu.sem_alloc : memref<!tpu.dma_semaphore, #tpu.memory_space<semaphore_mem>>
        %dma_start3A = arith.constant 384 : i32
        %dma_start3A_34 = arith.constant 0 : i32
        %dma_start3A_35 = tpu.memref_slice %arg7[%dma_start3A, %dma_start3A_34] : memref<1024x8xf32, #tpu.memory_space<vmem>> -> memref<128x8xf32, #tpu.memory_space<vmem>>
        %dma_start3A_36 = arith.constant 0 : i32
        %dma_start3A_37 = tpu.memref_slice %arg6[%run_scoped3A_27, %dma_start3A_36] : memref<8x128xi32, #tpu.memory_space<vmem>> -> memref<1x128xi32, #tpu.memory_space<vmem>>
        %dma_start3A_38 = tpu.memref_squeeze %dma_start3A_37 : memref<1x128xi32, #tpu.memory_space<vmem>> -> memref<128xi32, #tpu.memory_space<vmem>>
        %dma_start3A_39 = arith.constant 0 : i32
        %dma_start3A_40 = arith.constant 0 : i32
        %dma_start3A_41 = tpu.memref_slice %arg8[%dma_start3A_39, %dma_start3A_40] : memref<50048x8xf32, #tpu.memory_space<vmem_shared>> -> memref<50048x8xf32, #tpu.memory_space<vmem_shared>>
        tpu.enqueue_indirect_dma source(%dma_start3A_35 : memref<128x8xf32, #tpu.memory_space<vmem>>) target(%dma_start3A_41 : memref<50048x8xf32, #tpu.memory_space<vmem_shared>>) offsets(%dma_start3A_38 : memref<128xi32, #tpu.memory_space<vmem>>) semaphore(%run_scoped3A_33 : memref<!tpu.dma_semaphore, #tpu.memory_space<semaphore_mem>>) {add = true}
        %dma_wait3A = arith.constant 384 : i32
        %dma_wait3A_42 = arith.constant 0 : i32
        %dma_wait3A_43 = tpu.memref_slice %arg7[%dma_wait3A, %dma_wait3A_42] : memref<1024x8xf32, #tpu.memory_space<vmem>> -> memref<128x8xf32, #tpu.memory_space<vmem>>
        %dma_wait3A_44 = arith.constant 0 : i32
        %dma_wait3A_45 = tpu.memref_slice %arg6[%run_scoped3A_27, %dma_wait3A_44] : memref<8x128xi32, #tpu.memory_space<vmem>> -> memref<1x128xi32, #tpu.memory_space<vmem>>
        %dma_wait3A_46 = tpu.memref_squeeze %dma_wait3A_45 : memref<1x128xi32, #tpu.memory_space<vmem>> -> memref<128xi32, #tpu.memory_space<vmem>>
        %dma_wait3A_47 = arith.constant 0 : i32
        %dma_wait3A_48 = arith.constant 0 : i32
        %dma_wait3A_49 = tpu.memref_slice %arg8[%dma_wait3A_47, %dma_wait3A_48] : memref<50048x8xf32, #tpu.memory_space<vmem_shared>> -> memref<50048x8xf32, #tpu.memory_space<vmem_shared>>
        tpu.wait_indirect_dma semaphore(%run_scoped3A_33 : memref<!tpu.dma_semaphore, #tpu.memory_space<semaphore_mem>>) src(%dma_wait3A_43 : memref<128x8xf32, #tpu.memory_space<vmem>>) dst(%dma_wait3A_49 : memref<50048x8xf32, #tpu.memory_space<vmem_shared>>)
        tpu.yield
      }) : () -> ()
      %run_scoped3A_28 = arith.constant 4 : i32
      "tpu.region"() ({
        %run_scoped3A_33 = tpu.sem_alloc : memref<!tpu.dma_semaphore, #tpu.memory_space<semaphore_mem>>
        %dma_start3A = arith.constant 512 : i32
        %dma_start3A_34 = arith.constant 0 : i32
        %dma_start3A_35 = tpu.memref_slice %arg7[%dma_start3A, %dma_start3A_34] : memref<1024x8xf32, #tpu.memory_space<vmem>> -> memref<128x8xf32, #tpu.memory_space<vmem>>
        %dma_start3A_36 = arith.constant 0 : i32
        %dma_start3A_37 = tpu.memref_slice %arg6[%run_scoped3A_28, %dma_start3A_36] : memref<8x128xi32, #tpu.memory_space<vmem>> -> memref<1x128xi32, #tpu.memory_space<vmem>>
        %dma_start3A_38 = tpu.memref_squeeze %dma_start3A_37 : memref<1x128xi32, #tpu.memory_space<vmem>> -> memref<128xi32, #tpu.memory_space<vmem>>
        %dma_start3A_39 = arith.constant 0 : i32
        %dma_start3A_40 = arith.constant 0 : i32
        %dma_start3A_41 = tpu.memref_slice %arg8[%dma_start3A_39, %dma_start3A_40] : memref<50048x8xf32, #tpu.memory_space<vmem_shared>> -> memref<50048x8xf32, #tpu.memory_space<vmem_shared>>
        tpu.enqueue_indirect_dma source(%dma_start3A_35 : memref<128x8xf32, #tpu.memory_space<vmem>>) target(%dma_start3A_41 : memref<50048x8xf32, #tpu.memory_space<vmem_shared>>) offsets(%dma_start3A_38 : memref<128xi32, #tpu.memory_space<vmem>>) semaphore(%run_scoped3A_33 : memref<!tpu.dma_semaphore, #tpu.memory_space<semaphore_mem>>) {add = true}
        %dma_wait3A = arith.constant 512 : i32
        %dma_wait3A_42 = arith.constant 0 : i32
        %dma_wait3A_43 = tpu.memref_slice %arg7[%dma_wait3A, %dma_wait3A_42] : memref<1024x8xf32, #tpu.memory_space<vmem>> -> memref<128x8xf32, #tpu.memory_space<vmem>>
        %dma_wait3A_44 = arith.constant 0 : i32
        %dma_wait3A_45 = tpu.memref_slice %arg6[%run_scoped3A_28, %dma_wait3A_44] : memref<8x128xi32, #tpu.memory_space<vmem>> -> memref<1x128xi32, #tpu.memory_space<vmem>>
        %dma_wait3A_46 = tpu.memref_squeeze %dma_wait3A_45 : memref<1x128xi32, #tpu.memory_space<vmem>> -> memref<128xi32, #tpu.memory_space<vmem>>
        %dma_wait3A_47 = arith.constant 0 : i32
        %dma_wait3A_48 = arith.constant 0 : i32
        %dma_wait3A_49 = tpu.memref_slice %arg8[%dma_wait3A_47, %dma_wait3A_48] : memref<50048x8xf32, #tpu.memory_space<vmem_shared>> -> memref<50048x8xf32, #tpu.memory_space<vmem_shared>>
        tpu.wait_indirect_dma semaphore(%run_scoped3A_33 : memref<!tpu.dma_semaphore, #tpu.memory_space<semaphore_mem>>) src(%dma_wait3A_43 : memref<128x8xf32, #tpu.memory_space<vmem>>) dst(%dma_wait3A_49 : memref<50048x8xf32, #tpu.memory_space<vmem_shared>>)
        tpu.yield
      }) : () -> ()
      %run_scoped3A_29 = arith.constant 5 : i32
      "tpu.region"() ({
        %run_scoped3A_33 = tpu.sem_alloc : memref<!tpu.dma_semaphore, #tpu.memory_space<semaphore_mem>>
        %dma_start3A = arith.constant 640 : i32
        %dma_start3A_34 = arith.constant 0 : i32
        %dma_start3A_35 = tpu.memref_slice %arg7[%dma_start3A, %dma_start3A_34] : memref<1024x8xf32, #tpu.memory_space<vmem>> -> memref<128x8xf32, #tpu.memory_space<vmem>>
        %dma_start3A_36 = arith.constant 0 : i32
        %dma_start3A_37 = tpu.memref_slice %arg6[%run_scoped3A_29, %dma_start3A_36] : memref<8x128xi32, #tpu.memory_space<vmem>> -> memref<1x128xi32, #tpu.memory_space<vmem>>
        %dma_start3A_38 = tpu.memref_squeeze %dma_start3A_37 : memref<1x128xi32, #tpu.memory_space<vmem>> -> memref<128xi32, #tpu.memory_space<vmem>>
        %dma_start3A_39 = arith.constant 0 : i32
        %dma_start3A_40 = arith.constant 0 : i32
        %dma_start3A_41 = tpu.memref_slice %arg8[%dma_start3A_39, %dma_start3A_40] : memref<50048x8xf32, #tpu.memory_space<vmem_shared>> -> memref<50048x8xf32, #tpu.memory_space<vmem_shared>>
        tpu.enqueue_indirect_dma source(%dma_start3A_35 : memref<128x8xf32, #tpu.memory_space<vmem>>) target(%dma_start3A_41 : memref<50048x8xf32, #tpu.memory_space<vmem_shared>>) offsets(%dma_start3A_38 : memref<128xi32, #tpu.memory_space<vmem>>) semaphore(%run_scoped3A_33 : memref<!tpu.dma_semaphore, #tpu.memory_space<semaphore_mem>>) {add = true}
        %dma_wait3A = arith.constant 640 : i32
        %dma_wait3A_42 = arith.constant 0 : i32
        %dma_wait3A_43 = tpu.memref_slice %arg7[%dma_wait3A, %dma_wait3A_42] : memref<1024x8xf32, #tpu.memory_space<vmem>> -> memref<128x8xf32, #tpu.memory_space<vmem>>
        %dma_wait3A_44 = arith.constant 0 : i32
        %dma_wait3A_45 = tpu.memref_slice %arg6[%run_scoped3A_29, %dma_wait3A_44] : memref<8x128xi32, #tpu.memory_space<vmem>> -> memref<1x128xi32, #tpu.memory_space<vmem>>
        %dma_wait3A_46 = tpu.memref_squeeze %dma_wait3A_45 : memref<1x128xi32, #tpu.memory_space<vmem>> -> memref<128xi32, #tpu.memory_space<vmem>>
        %dma_wait3A_47 = arith.constant 0 : i32
        %dma_wait3A_48 = arith.constant 0 : i32
        %dma_wait3A_49 = tpu.memref_slice %arg8[%dma_wait3A_47, %dma_wait3A_48] : memref<50048x8xf32, #tpu.memory_space<vmem_shared>> -> memref<50048x8xf32, #tpu.memory_space<vmem_shared>>
        tpu.wait_indirect_dma semaphore(%run_scoped3A_33 : memref<!tpu.dma_semaphore, #tpu.memory_space<semaphore_mem>>) src(%dma_wait3A_43 : memref<128x8xf32, #tpu.memory_space<vmem>>) dst(%dma_wait3A_49 : memref<50048x8xf32, #tpu.memory_space<vmem_shared>>)
        tpu.yield
      }) : () -> ()
      %run_scoped3A_30 = arith.constant 6 : i32
      "tpu.region"() ({
        %run_scoped3A_33 = tpu.sem_alloc : memref<!tpu.dma_semaphore, #tpu.memory_space<semaphore_mem>>
        %dma_start3A = arith.constant 768 : i32
        %dma_start3A_34 = arith.constant 0 : i32
        %dma_start3A_35 = tpu.memref_slice %arg7[%dma_start3A, %dma_start3A_34] : memref<1024x8xf32, #tpu.memory_space<vmem>> -> memref<128x8xf32, #tpu.memory_space<vmem>>
        %dma_start3A_36 = arith.constant 0 : i32
        %dma_start3A_37 = tpu.memref_slice %arg6[%run_scoped3A_30, %dma_start3A_36] : memref<8x128xi32, #tpu.memory_space<vmem>> -> memref<1x128xi32, #tpu.memory_space<vmem>>
        %dma_start3A_38 = tpu.memref_squeeze %dma_start3A_37 : memref<1x128xi32, #tpu.memory_space<vmem>> -> memref<128xi32, #tpu.memory_space<vmem>>
        %dma_start3A_39 = arith.constant 0 : i32
        %dma_start3A_40 = arith.constant 0 : i32
        %dma_start3A_41 = tpu.memref_slice %arg8[%dma_start3A_39, %dma_start3A_40] : memref<50048x8xf32, #tpu.memory_space<vmem_shared>> -> memref<50048x8xf32, #tpu.memory_space<vmem_shared>>
        tpu.enqueue_indirect_dma source(%dma_start3A_35 : memref<128x8xf32, #tpu.memory_space<vmem>>) target(%dma_start3A_41 : memref<50048x8xf32, #tpu.memory_space<vmem_shared>>) offsets(%dma_start3A_38 : memref<128xi32, #tpu.memory_space<vmem>>) semaphore(%run_scoped3A_33 : memref<!tpu.dma_semaphore, #tpu.memory_space<semaphore_mem>>) {add = true}
        %dma_wait3A = arith.constant 768 : i32
        %dma_wait3A_42 = arith.constant 0 : i32
        %dma_wait3A_43 = tpu.memref_slice %arg7[%dma_wait3A, %dma_wait3A_42] : memref<1024x8xf32, #tpu.memory_space<vmem>> -> memref<128x8xf32, #tpu.memory_space<vmem>>
        %dma_wait3A_44 = arith.constant 0 : i32
        %dma_wait3A_45 = tpu.memref_slice %arg6[%run_scoped3A_30, %dma_wait3A_44] : memref<8x128xi32, #tpu.memory_space<vmem>> -> memref<1x128xi32, #tpu.memory_space<vmem>>
        %dma_wait3A_46 = tpu.memref_squeeze %dma_wait3A_45 : memref<1x128xi32, #tpu.memory_space<vmem>> -> memref<128xi32, #tpu.memory_space<vmem>>
        %dma_wait3A_47 = arith.constant 0 : i32
        %dma_wait3A_48 = arith.constant 0 : i32
        %dma_wait3A_49 = tpu.memref_slice %arg8[%dma_wait3A_47, %dma_wait3A_48] : memref<50048x8xf32, #tpu.memory_space<vmem_shared>> -> memref<50048x8xf32, #tpu.memory_space<vmem_shared>>
        tpu.wait_indirect_dma semaphore(%run_scoped3A_33 : memref<!tpu.dma_semaphore, #tpu.memory_space<semaphore_mem>>) src(%dma_wait3A_43 : memref<128x8xf32, #tpu.memory_space<vmem>>) dst(%dma_wait3A_49 : memref<50048x8xf32, #tpu.memory_space<vmem_shared>>)
        tpu.yield
      }) : () -> ()
      %run_scoped3A_31 = arith.constant 7 : i32
      "tpu.region"() ({
        %run_scoped3A_33 = tpu.sem_alloc : memref<!tpu.dma_semaphore, #tpu.memory_space<semaphore_mem>>
        %dma_start3A = arith.constant 896 : i32
        %dma_start3A_34 = arith.constant 0 : i32
        %dma_start3A_35 = tpu.memref_slice %arg7[%dma_start3A, %dma_start3A_34] : memref<1024x8xf32, #tpu.memory_space<vmem>> -> memref<128x8xf32, #tpu.memory_space<vmem>>
        %dma_start3A_36 = arith.constant 0 : i32
        %dma_start3A_37 = tpu.memref_slice %arg6[%run_scoped3A_31, %dma_start3A_36] : memref<8x128xi32, #tpu.memory_space<vmem>> -> memref<1x128xi32, #tpu.memory_space<vmem>>
        %dma_start3A_38 = tpu.memref_squeeze %dma_start3A_37 : memref<1x128xi32, #tpu.memory_space<vmem>> -> memref<128xi32, #tpu.memory_space<vmem>>
        %dma_start3A_39 = arith.constant 0 : i32
        %dma_start3A_40 = arith.constant 0 : i32
        %dma_start3A_41 = tpu.memref_slice %arg8[%dma_start3A_39, %dma_start3A_40] : memref<50048x8xf32, #tpu.memory_space<vmem_shared>> -> memref<50048x8xf32, #tpu.memory_space<vmem_shared>>
        tpu.enqueue_indirect_dma source(%dma_start3A_35 : memref<128x8xf32, #tpu.memory_space<vmem>>) target(%dma_start3A_41 : memref<50048x8xf32, #tpu.memory_space<vmem_shared>>) offsets(%dma_start3A_38 : memref<128xi32, #tpu.memory_space<vmem>>) semaphore(%run_scoped3A_33 : memref<!tpu.dma_semaphore, #tpu.memory_space<semaphore_mem>>) {add = true}
        %dma_wait3A = arith.constant 896 : i32
        %dma_wait3A_42 = arith.constant 0 : i32
        %dma_wait3A_43 = tpu.memref_slice %arg7[%dma_wait3A, %dma_wait3A_42] : memref<1024x8xf32, #tpu.memory_space<vmem>> -> memref<128x8xf32, #tpu.memory_space<vmem>>
        %dma_wait3A_44 = arith.constant 0 : i32
        %dma_wait3A_45 = tpu.memref_slice %arg6[%run_scoped3A_31, %dma_wait3A_44] : memref<8x128xi32, #tpu.memory_space<vmem>> -> memref<1x128xi32, #tpu.memory_space<vmem>>
        %dma_wait3A_46 = tpu.memref_squeeze %dma_wait3A_45 : memref<1x128xi32, #tpu.memory_space<vmem>> -> memref<128xi32, #tpu.memory_space<vmem>>
        %dma_wait3A_47 = arith.constant 0 : i32
        %dma_wait3A_48 = arith.constant 0 : i32
        %dma_wait3A_49 = tpu.memref_slice %arg8[%dma_wait3A_47, %dma_wait3A_48] : memref<50048x8xf32, #tpu.memory_space<vmem_shared>> -> memref<50048x8xf32, #tpu.memory_space<vmem_shared>>
        tpu.wait_indirect_dma semaphore(%run_scoped3A_33 : memref<!tpu.dma_semaphore, #tpu.memory_space<semaphore_mem>>) src(%dma_wait3A_43 : memref<128x8xf32, #tpu.memory_space<vmem>>) dst(%dma_wait3A_49 : memref<50048x8xf32, #tpu.memory_space<vmem_shared>>)
        tpu.yield
      }) : () -> ()
      %scan3A_32 = arith.constant 0 : i32
      scf.yield %scan3A_32 : i32
    }
    %scan3A_10 = arith.constant 25 : i32
    %barrier3A_11 = arith.constant 0 : index
    tpu.barrier barrier_id(%barrier3A_11)
    %mul3A_12 = arith.constant 3128 : i32
    %mul3A_13 = arith.muli %arg1, %mul3A_12 : i32
    %mul3A_14 = arith.constant 3128 : i32
    %mul3A_15 = arith.muli %arg1, %mul3A_14 : i32
    "tpu.region"() ({
      %run_scoped3A = tpu.sem_alloc : memref<!tpu.dma_semaphore, #tpu.memory_space<semaphore_mem>>
      %dma_start3A = arith.constant 0 : i32
      %dma_start3A_16 = tpu.memref_slice %arg5[%arg0, %mul3A_15, %dma_start3A] : memref<2x50048x8xf32, #tpu.memory_space<hbm>> -> memref<1x3128x8xf32, #tpu.memory_space<hbm>>
      %dma_start3A_17 = tpu.memref_squeeze %dma_start3A_16 : memref<1x3128x8xf32, #tpu.memory_space<hbm>> -> memref<3128x8xf32, #tpu.memory_space<hbm>>
      %dma_start3A_18 = arith.constant 0 : i32
      %dma_start3A_19 = tpu.memref_slice %arg8[%mul3A_13, %dma_start3A_18] : memref<50048x8xf32, #tpu.memory_space<vmem_shared>> -> memref<3128x8xf32, #tpu.memory_space<vmem_shared>>
      tpu.enqueue_dma source(%dma_start3A_19 : memref<3128x8xf32, #tpu.memory_space<vmem_shared>>) target(%dma_start3A_17 : memref<3128x8xf32, #tpu.memory_space<hbm>>) target_semaphore(%run_scoped3A : memref<!tpu.dma_semaphore, #tpu.memory_space<semaphore_mem>>)
      %dma_wait3A = arith.constant 0 : i32
      %dma_wait3A_20 = tpu.memref_slice %arg5[%arg0, %mul3A_15, %dma_wait3A] : memref<2x50048x8xf32, #tpu.memory_space<hbm>> -> memref<1x3128x8xf32, #tpu.memory_space<hbm>>
      %dma_wait3A_21 = tpu.memref_squeeze %dma_wait3A_20 : memref<1x3128x8xf32, #tpu.memory_space<hbm>> -> memref<3128x8xf32, #tpu.memory_space<hbm>>
      %dma_wait3A_22 = arith.constant 0 : i32
      %dma_wait3A_23 = tpu.memref_slice %arg8[%mul3A_13, %dma_wait3A_22] : memref<50048x8xf32, #tpu.memory_space<vmem_shared>> -> memref<3128x8xf32, #tpu.memory_space<vmem_shared>>
      tpu.wait_dma2 semaphore(%run_scoped3A : memref<!tpu.dma_semaphore, #tpu.memory_space<semaphore_mem>>) src(%dma_wait3A_23 : memref<3128x8xf32, #tpu.memory_space<vmem_shared>>) dst(%dma_wait3A_21 : memref<3128x8xf32, #tpu.memory_space<hbm>>)
      tpu.yield
    }) : () -> ()
    return
  }
}

</mosaic_0001>

<sc_bundles>
// kernel: _easum_sc.3.cloned.1.call-start
scs
__scs_entry_jumppad:
0x0: {  	(pc) =	sbr.rel $0x88, $3  }
0x1: {  	(tag) =	ssettag $0x0;
	lr =	simm.s32 $0x1  }
0x2: {  	[smem:$0x3F9E] =	sst lr;
	_ =	strace $0xD0000000  }
0x3: {  	_ = 	snop  }
0x4: {  	_ = 	snop  }
0x5: {  	_ = 	snop  }
0x6: {  	_ = 	snop  }
0x7: {  	_ = 	snop  }
__scs_overlays_trampoline_lowered:
0x8: {  	[smem:$0x3FAD] =	sst s0  }
0x9: {  	[smem:$0x3FAE] =	sst s1  }
0xa: {  	[smem:$0x3FAF] =	sst s2  }
0xb: {  	[smem:$0x3FB0] =	sst s3  }
0xc: {  	[smem:$0x3FB1] =	sst s4  }
0xd: {  	[smem:$0x3FB2] =	sst s5  }
0xe: {  	[smem:$0x3FB3] =	sst s6  }
0xf: {  	[smem:$0x3FB4] =	sst s7  }
0x10: {  	[smem:$0x3FB5] =	sst s8  }
0x11: {  	[smem:$0x3FB6] =	sst s9;
	s0 =	simm.s32 @!p0 $0x0  }
0x12: {  	s1 =	sld [smem:$0x3F9C];
	s0 =	simm.s32 @p0 $0x1  }
0x13: {  	[smem:$0x3FB7] =	sst s0;
	s0 =	simm.s32 @!p1 $0x0  }
0x14: {  	s2 =	sld [smem:$0x3F9B];
	s0 =	simm.s32 @p1 $0x1  }
0x15: {  	[smem:$0x3FB8] =	sst s0;
	s0 =	simm.s32 @!p2 $0x0  }
0x16: {  	s3 =	sld [smem:$0x3FDB];
	s0 =	simm.s32 @p2 $0x1  }
0x17: {  	s4 =	simm.s32 $0x1BF5;
	[smem:$0x3FBA] =	sst s0  }
0x18: {  	s0 =	sld [smem:$0x3F9D];
	_ =	swait.ge [sflag:s4], $0x0  }
0x19: {  	s7 =	sld [smem:$0x3F9E]  }
0x1a: {  	s8 =	sadd.s32 $0xFFFFE003, lr  }
0x1b: {  	s9 =	sadd.s32 $0xFFFFFEF7, lr;
	s5 =	simm.s32 $0xFFFFFFFF;
	p2 =	slt.u32 s8, $0xFFFFF086  }
0x1c: {  	p1 =	slt.u32 s9, $0xF7A;
	s5 =	simm.s32 @!p2 $0x0  }
0x1d: {  	s5 =	simm.s32 @p1 $0x1;
	p0 =	seq.s32 s7, s2  }
0x1e: {  	s7 =	smul.u32 @!p0 $0xF7A, s2;
	p2 =	seq.s32 @!p0 s5, $0x0  }
0x1f: {  	s9 =	smul.u32 $0xF7A, s1;
	s8 =	simm.s32 @!p0 $0x1BF5;
	p2 =	por !p2, p0  }
0x20: {  	[sflag:s8] =	ssyncset.s32 @!p0 $0xFFFFF086;
	s6 =	sadd.s32 @!p0 s3, s7;
	s7 =	simm.s32 @!p0 $0x108  }
0x21: {  	s3 =	sadd.s32 s3, s9;
	s6 =	sadd.s32 @!p0 $0x88, s6;
	s7 =	simm.s32 @p2 $0x1082  }
0x22: {  	[simem:s7], [sflag:s8] =	dma.local @!p0 [hbm:s6], $0xF7A  }
0x23: {  	s9 =	sor.u32 $0xD0000000, s2;
	s6 =	simm.s32 $0x108;
	_ =	swait.ge @!p0 [sflag:s8], $0x0  }
0x24: {  	s3 =	sadd.s32 $0x88, s3;
	s6 =	simm.s32 @!p1 $0x1082;
	[sflag:s4] =	ssyncset.s32 $0xFFFFF086  }
0x25: {  	[simem:s6], [sflag:s4] =	dma.local [hbm:s3], $0xF7A  }
0x26: {  	[smem:$0x3F9E] =	sst s1;
	(tag) =	ssettag s2;
	_ =	strace s9  }
0x27: {  	s1 =	sld [smem:$0x3FAE]  }
0x28: {  	s2 =	sld [smem:$0x3FAF]  }
0x29: {  	s4 =	sld [smem:$0x3FB1]  }
0x2a: {  	p0 =	seq.s32 s5, $0x0;
	s5 =	sld [smem:$0x3FB2]  }
0x2b: {  	s6 =	sld [smem:$0x3FB3]  }
0x2c: {  	s7 =	sld [smem:$0x3FB4]  }
0x2d: {  	s3 =	simm.s32 $0x108;
	s8 =	sld [smem:$0x3FB5]  }
0x2e: {  	s3 =	simm.s32 @!p0 $0x1082;
	s9 =	sld [smem:$0x3FB6]  }
0x2f: {  	lr =	sadd.s32 s0, s3;
	s0 =	sld [smem:$0x3FAD]  }
0x30: {  	s3 =	sld [smem:$0x3FB0]  }
0x31: {  	[smem:$0x3FB9] =	sst s10  }
0x32: {  	s10 =	sld [smem:$0x3FB7];
	_ =	sdelay $0x3  }
0x33: {  	p0 =	seq.s32 s10, $0x1;
	s10 =	sld [smem:$0x3FB9];
	_ =	sdelay $0x3  }
0x34: {  	[smem:$0x3FB9] =	sst s10  }
0x35: {  	s10 =	sld [smem:$0x3FB8];
	_ =	sdelay $0x3  }
0x36: {  	p1 =	seq.s32 s10, $0x1;
	s10 =	sld [smem:$0x3FB9];
	_ =	sdelay $0x3  }
0x37: {  	[smem:$0x3FB9] =	sst s10  }
0x38: {  	s10 =	sld [smem:$0x3FBA]  }
0x39: {  	_ = 	snop;
	(pc) =	sbr.ind lr, $3  }
0x3a: {  	_ = 	snop  }
0x3b: {  	_ = 	snop  }
0x3c: {  	p2 =	seq.s32 s10, $0x1;
	s10 =	sld [smem:$0x3FB9]  }
0x3d: {  	_ =	shalt  }
0x3e: {  	_ =	shalt  }
0x3f: {  	_ =	shalt  }
0x40: {  	_ =	shalt  }
0x41: {  	_ =	shalt  }
0x42: {  	_ =	shalt  }
0x43: {  	_ =	shalt  }
0x44: {  	_ =	shalt  }
0x45: {  	_ =	shalt  }
0x46: {  	_ =	shalt  }
0x47: {  	_ =	shalt  }
0x48: {  	_ =	shalt  }
0x49: {  	_ =	shalt  }
0x4a: {  	_ =	shalt  }
0x4b: {  	_ =	shalt  }
0x4c: {  	_ =	shalt  }
0x4d: {  	_ =	shalt  }
0x4e: {  	_ =	shalt  }
0x4f: {  	_ =	shalt  }
0x50: {  	_ =	shalt  }
0x51: {  	_ =	shalt  }
0x52: {  	_ =	shalt  }
0x53: {  	_ =	shalt  }
0x54: {  	_ =	shalt  }
0x55: {  	_ =	shalt  }
0x56: {  	_ =	shalt  }
0x57: {  	_ =	shalt  }
0x58: {  	_ =	shalt  }
0x59: {  	_ =	shalt  }
0x5a: {  	_ =	shalt  }
0x5b: {  	_ =	shalt  }
0x5c: {  	_ =	shalt  }
0x5d: {  	_ =	shalt  }
0x5e: {  	_ =	shalt  }
0x5f: {  	_ =	shalt  }
0x60: {  	_ =	shalt  }
0x61: {  	_ =	shalt  }
0x62: {  	_ =	shalt  }
0x63: {  	_ =	shalt  }
0x64: {  	_ =	shalt  }
0x65: {  	_ =	shalt  }
0x66: {  	_ =	shalt  }
0x67: {  	_ =	shalt  }
0x68: {  	_ =	shalt  }
0x69: {  	_ =	shalt  }
0x6a: {  	_ =	shalt  }
0x6b: {  	_ =	shalt  }
0x6c: {  	_ =	shalt  }
0x6d: {  	_ =	shalt  }
0x6e: {  	_ =	shalt  }
0x6f: {  	_ =	shalt  }
0x70: {  	_ =	shalt  }
0x71: {  	_ =	shalt  }
0x72: {  	_ =	shalt  }
0x73: {  	_ =	shalt  }
0x74: {  	_ =	shalt  }
0x75: {  	_ =	shalt  }
0x76: {  	_ =	shalt  }
0x77: {  	_ =	shalt  }
0x78: {  	_ =	shalt  }
0x79: {  	_ =	shalt  }
0x7a: {  	_ =	shalt  }
0x7b: {  	_ =	shalt  }
0x7c: {  	_ =	shalt  }
0x7d: {  	_ =	shalt  }
0x7e: {  	_ =	shalt  }
0x7f: {  	_ =	shalt  }
0x80: {  	_ =	shalt  }
0x81: {  	_ =	shalt  }
0x82: {  	_ =	shalt  }
0x83: {  	_ =	shalt  }
0x84: {  	_ =	shalt  }
0x85: {  	_ =	shalt  }
0x86: {  	_ =	shalt  }
0x87: {  	_ =	shalt  }
.Lfunc_end0:
.L_simem_size_0:
called_computation_lowered:
.L_overlay_start_0:
0x88: {  	s2 =	sld [smem:$0x3FD9]  }
0x89: {  	s3 =	sld [smem:$0x3FFE];
	_ =	sdelay $0x1  }
0x8a: {  	s1 =	srdreg.scid  }
0x8b: {  	s0 =	sand.u32 $0x1, s1  }
0x8c: {  	s17 =	sshll.u32 s0, $0xA;
	s2 =	sadd.s32 s3, s2  }
0x8d: {  	s2 =	sadd.s32 s2, s17  }
0x8e: {  	[smem:$0x3FC5] =	sst s2  }
0x8f: {  	_ = 	snop  }
0x90: {  	s2 =	sld [smem:$0x3FC9]  }
0x91: {  	s18 =	sld [smem:$0x3FD0];
	(tm) =	ssettm $0x1  }
0x92: {  	s4 =	sld [smem:$0x3FFB];
	_ =	sdelay $0x3  }
0x93: {  	_ =	strace s4  }
0x94: {  	s4 =	sld [smem:$0x3FFC];
	_ =	sdelay $0x3  }
0x95: {  	_ =	strace s4  }
0x96: {  	s4 =	sld [smem:$0x3FFD];
	_ =	sdelay $0x3  }
0x97: {  	_ =	strace s4  }
0x98: {  	_ =	strace $0x8FFFFFFF  }
0x99: {  	s19 =	sld [smem:$0x3FDB];
	_ =	sdelay $0x1  }
0x9a: {  	s5 =	simm.s32 $_scs_section_size  }
0x9b: {  	s6 =	simm.s32 $_size__tile_overlayer_lowered;
	s7 =	simm.s32 $_tile_overlayer_lowered  }
0x9c: {  	s22 =	simm.s32 $0x1BFF;
	s21 =	sshll.u32 s7, $0x1;
	s4 =	sadd.s32 s5, s19  }
0x9d: {  	s8 =	simm.s32 $0x0;
	s20 =	sshll.u32 s6, $0x1;
	s6 =	sadd.s32 s21, s4  }
0x9e: {  	[timem:s8], [sflag:s22] =	dma.local [hbm:s6], s20  }
0x9f: {  	_ =	swait.ge [sflag:s22], s20  }
0xa0: {  	s5 =	ssub.s32 $0x0, s20;
	[sflag:s22] =	ssyncset.done $0x0  }
0xa1: {  	[sflag:s22] =	ssyncadd.s32 s5;
	_ =	sdelay $0x1  }
0xa2: {  	s23 =	simm.s32 $0x1B8B  }
0xa3: {  	_ =	swait.ge [sflag:s23], $0x1  }
0xa4: {  	[sflag:s23] =	ssyncset.done $0x0  }
0xa5: {  	s25 =	simm.s32 $0x1B8E;
	s24 =	sld [smem:$0x3FFE];
	[sflag:s23] =	ssyncadd.s32 $0xFFFFFFFF  }
0xa6: {  	s26 =	simm.s32 $execute0_lowered;
	[smem:$0x3FD2] =	sst s25  }
0xa7: {  	s6 =	sshll.u32 s26, $0x1;
	_ =	strace $0x80000046;
	[dreg:$0x1] =	wrdreg $0xFFFFFFFF  }
0xa8: {  	s28 =	simm.s32 $_size_execute0_lowered;
	s4 =	sadd.s32 s4, s6;
	[dreg:$0x0] =	wrdreg $0x0  }
0xa9: {  	s6 =	sshll.u32 s28, $0x1;
	[dreg:$0x2] =	wrdreg s4  }
0xaa: {  	[dreg:$0x3] =	wrdreg s6  }
0xab: {  	[dreg:$0x4] =	wrdreg $0xC0  }
0xac: {  	_ =	task [dreg:s8], $0x5FFFF  }
0xad: {  	[dreg:$0x1] =	wrdreg $0xFFFFFFFF  }
0xae: {  	[dreg:$0x0] =	wrdreg $0x60  }
0xaf: {  	[dreg:$0x2] =	wrdreg s2  }
0xb0: {  	[dreg:$0x3] =	wrdreg s24  }
0xb1: {  	[dreg:$0x4] =	wrdreg s18  }
0xb2: {  	[dreg:$0x5] =	wrdreg $0x24000  }
0xb3: {  	[dreg:$0x6] =	wrdreg $0x9  }
0xb4: {  	_ =	task.clear_ibuf [dreg:s8], $0x7FFFF;
	_ =	strace $0x90000046  }
0xb5: {  	s29 =	simm.s32 $0x9;
	_ =	strace $0x80000048  }
0xb6: {  	_ =	swait.ge [sflag:s29], $0x1  }
0xb7: {  	[sflag:s29] =	ssyncadd.s32 $0xFFFFFFFF  }
0xb8: {  	_ =	strace $0x90000048  }
0xb9: {  	_ =	sfence  }
0xba: {  	s30 =	sld [smem:$0x0];
	_ =	sdelay $0x2  }
0xbb: {  	s31 =	sshll.u32 s1, $0xD;
	s1 =	sshrl.u32 s1, $0x2  }
0xbc: {  	s3 =	sand.u32 $0x4000, s31;
	s1 =	sadd.s32 s1, s30  }
0xbd: {  	s0 =	sor.u32 s3, s0;
	s1 =	sshll.u32 s1, $0x11  }
0xbe: {  	s0 =	sor.u32 s1, s0  }
0xbf: {  	s0 =	sadd.s32 $0x8F2B, s0  }
0xc0: {  	[sflag:s0] =	ssyncadd.remote.s32 $0x1  }
0xc1: {  	_ =	sfence.sel $0xFFFF  }
0xc2: {  	[dreg:$0x0] =	wrdreg $0xFFFFFFFF;
	(pc) =	sbr.abs _section_cstart, $3  }
0xc3: {  	[dreg:$0x1] =	wrdreg $0xFFFFFFFF  }
0xc4: {  	_ =	task.clear_ibuf [dreg:s8], $0x2FFFF;
	_ =	strace $0x9FFFFFFF  }
0xc5: {  	(tm) =	ssettm $0x7FFFFFFF  }
tec
execute0_lowered:
.L_overlay_start_1:
0x0: {  	(tag) =	ssettag $0x1  }
0x1: {  	s0 =	rddreg [dreg:$0x0]  }
0x2: {  	s4 =	rddreg [dreg:$0x1]  }
0x3: {  	s6 =	rddreg [dreg:$0x2]  }
0x4: {  	s1 =	srdreg.scid;
	s2 =	rddreg [dreg:$0x3]  }
0x5: {  	s24 =	stileid.u32;
	s3 =	simm.s32 $0x0;
	s13 =	simm.s32 $0x80  }
0x6: {  	s14 =	simm.s32 $0x800;
	s15 =	simm.s32 $0x100;
	s16 =	simm.s32 $0xC00  }
0x7: {  	s17 =	simm.s32 $0x180;
	s18 =	simm.s32 $0x1000;
	s19 =	simm.s32 $0x200  }
0x8: {  	s20 =	simm.s32 $0x1400;
	s21 =	simm.s32 $0x280;
	s22 =	simm.s32 $0x1800  }
0x9: {  	s23 =	simm.s32 $0x300;
	s28 =	simm.s32 $0x0;
	s8 =	smul.u32 $0x6400, s24  }
0xa: {  	s5 =	sand.u32 $0x1, s1;
	[smem:$0x7FF] =	sst s3;
	s9 =	smul.u32 $0x61C0, s24  }
0xb: {  	s30 =	sshll.u32 s24, $0x6;
	s24 =	simm.s32 $0x1C00;
	s7 =	smul.u32 $0x64000, s5  }
0xc: {  	_ =	strace $0x80000047;
	s10 =	ssub.s32 $0x2, s5;
	s5 =	smul.u32 $0x61C00, s5  }
0xd: {  	s25 =	sshrl.u32 s9, $0x3;
	s26 =	sshrl.u32 s10, $0x1;
	s29 =	sadd.s32 s9, s2  }
0xe: {  	s7 =	sadd.s32 s8, s7;
	s8 =	ssub.s32 s10, s26;
	s5 =	sadd.s32 s9, s5  }
0xf: {  	s10 =	sshrl.u32 s29, $0x3;
	s26 =	simm.s32 $0x2000;
	s11 =	sadd.s32 s7, s4  }
0x10: {  	s4 =	sadd.s32 s25, s4;
	s12 =	sshrl.u32 s5, $0x3;
	s5 =	sor.u32 $0x1C01, s30  }
0x11: {  	s31 =	sshrl.u32 s7, $0x3;
	s7 =	smax.u32 s8, $0x1;
	s25 =	simm.s32 $0x380  }
0x12: {  	s4 =	sadd.s32 $0x600, s4;
	s6 =	sadd.s32 s6, s12;
	s8 =	sadd.s32 $0xC80600, s11  }
0x13: {  	s9 =	sadd.s32 s31, s0;
	s11 =	simm.s32 $0x1;
	s12 =	simm.s32 $0x400  }
.LBB2_1:
0x14: {  	[spmem:s10], [sflag:s5] =	dma.local [hbm:s4], $0xC38  }
0x15: {  	_ =	swait.ge [sflag:s11], $0xC38  }
0x16: {  	[sflag:s11] =	ssyncset.done $0x0  }
0x17: {  	[sflag:s11] =	ssyncadd.s32 $0xFFFFF3C8  }
0x18: {  	s0 =	sadd.s32 $0x0, s9;
	[bflag:$0x0] =	sbarrier.arrive $0xFFFF  }
0x19: {  	[tilespmem:s3], [sflag:$0x1] =	stream.linear.gather [hbm4b:s0+s3], $0x400, $0x38;
	[tilespmem:$0x85C0] =	vst v63  }
0x1a: {  	_ =	swait.ge [sflag:s11], $0x400  }
0x1b: {  	[sflag:s11] =	ssyncset.done $0x0  }
0x1c: {  	[sflag:s11] =	ssyncadd.s32 $0xFFFFFC00  }
0x1d: {  	[tilespmem:s12], [sflag:$0x1] =	stream.linear.gather [hbm4b:s8+s3], $0x2000, $0x38;
	[tilespmem:$0x85C0] =	vst v63  }
0x1e: {  	_ =	swait.ge [sflag:s11], $0x2000  }
0x1f: {  	[sflag:s11] =	ssyncset.done $0x0  }
0x20: {  	[sflag:s11] =	ssyncadd.s32 $0xFFFFE000  }
0x21: {  	[spmem:s2] =	stream.indirect.scatter.add.f32 [tilespmem:s12], [sflag:$0x1], $0x8, s3, s13, $0xb8;
	[tilespmem:$0x85C0] =	vst v63  }
0x22: {  	_ =	swait.ge [sflag:s11], $0x400  }
0x23: {  	[sflag:s11] =	ssyncset.done $0x0  }
0x24: {  	[sflag:s11] =	ssyncadd.s32 $0xFFFFFC00  }
0x25: {  	[spmem:s2] =	stream.indirect.scatter.add.f32 [tilespmem:s14], [sflag:$0x1], $0x8, s13, s13, $0xb8;
	[tilespmem:$0x85C0] =	vst v63  }
0x26: {  	_ =	swait.ge [sflag:s11], $0x400  }
0x27: {  	[sflag:s11] =	ssyncset.done $0x0  }
0x28: {  	[sflag:s11] =	ssyncadd.s32 $0xFFFFFC00  }
0x29: {  	[spmem:s2] =	stream.indirect.scatter.add.f32 [tilespmem:s16], [sflag:$0x1], $0x8, s15, s13, $0xb8;
	[tilespmem:$0x85C0] =	vst v63  }
0x2a: {  	_ =	swait.ge [sflag:s11], $0x400  }
0x2b: {  	[sflag:s11] =	ssyncset.done $0x0  }
0x2c: {  	[sflag:s11] =	ssyncadd.s32 $0xFFFFFC00  }
0x2d: {  	[spmem:s2] =	stream.indirect.scatter.add.f32 [tilespmem:s18], [sflag:$0x1], $0x8, s17, s13, $0xb8;
	[tilespmem:$0x85C0] =	vst v63  }
0x2e: {  	_ =	swait.ge [sflag:s11], $0x400  }
0x2f: {  	[sflag:s11] =	ssyncset.done $0x0  }
0x30: {  	[sflag:s11] =	ssyncadd.s32 $0xFFFFFC00  }
0x31: {  	[spmem:s2] =	stream.indirect.scatter.add.f32 [tilespmem:s20], [sflag:$0x1], $0x8, s19, s13, $0xb8;
	[tilespmem:$0x85C0] =	vst v63  }
0x32: {  	_ =	swait.ge [sflag:s11], $0x400  }
0x33: {  	[sflag:s11] =	ssyncset.done $0x0  }
0x34: {  	[sflag:s11] =	ssyncadd.s32 $0xFFFFFC00  }
0x35: {  	[spmem:s2] =	stream.indirect.scatter.add.f32 [tilespmem:s22], [sflag:$0x1], $0x8, s21, s13, $0xb8;
	[tilespmem:$0x85C0] =	vst v63  }
0x36: {  	_ =	swait.ge [sflag:s11], $0x400  }
0x37: {  	[sflag:s11] =	ssyncset.done $0x0  }
0x38: {  	[sflag:s11] =	ssyncadd.s32 $0xFFFFFC00  }
0x39: {  	[spmem:s2] =	stream.indirect.scatter.add.f32 [tilespmem:s24], [sflag:$0x1], $0x8, s23, s13, $0xb8;
	[tilespmem:$0x85C0] =	vst v63  }
0x3a: {  	_ =	swait.ge [sflag:s11], $0x400  }
0x3b: {  	[sflag:s11] =	ssyncset.done $0x0  }
0x3c: {  	[sflag:s11] =	ssyncadd.s32 $0xFFFFFC00  }
0x3d: {  	[spmem:s2] =	stream.indirect.scatter.add.f32 [tilespmem:s26], [sflag:$0x1], $0x8, s25, s13, $0xb8;
	[tilespmem:$0x85C0] =	vst v63  }
0x3e: {  	s30 =	simm.s32 $0x80;
	_ =	swait.ge [sflag:s11], $0x400  }
0x3f: {  	s31 =	simm.s32 $0x100;
	s29 =	sadd.s32 $0x400, s8;
	[sflag:s11] =	ssyncset.done $0x0  }
.LBB2_2:
0x40: {  	s1 =	sadd.s32 s30, s9  }
0x41: {  	[sflag:s11] =	ssyncadd.s32 $0xFFFFFC00;
	s30 =	smov.u32 s31;
	s0 =	sadd.s32 $0x80, s31  }
0x42: {  	[tilespmem:s3], [sflag:$0x1] =	stream.linear.gather [hbm4b:s1+s3], $0x400, $0x38;
	[tilespmem:$0x85C0] =	vst v63  }
0x43: {  	p0 =	sne.s32 s31, $0xC00;
	_ =	swait.ge [sflag:s11], $0x400  }
0x44: {  	[sflag:s11] =	ssyncset.done $0x0  }
0x45: {  	[sflag:s11] =	ssyncadd.s32 $0xFFFFFC00  }
0x46: {  	[tilespmem:s12], [sflag:$0x1] =	stream.linear.gather [hbm4b:s29+s3], $0x2000, $0x38;
	[tilespmem:$0x85C0] =	vst v63  }
0x47: {  	_ =	swait.ge [sflag:s11], $0x2000  }
0x48: {  	[sflag:s11] =	ssyncset.done $0x0  }
0x49: {  	[sflag:s11] =	ssyncadd.s32 $0xFFFFE000  }
0x4a: {  	[spmem:s2] =	stream.indirect.scatter.add.f32 [tilespmem:s12], [sflag:$0x1], $0x8, s3, s13, $0xb8;
	[tilespmem:$0x85C0] =	vst v63  }
0x4b: {  	_ =	swait.ge [sflag:s11], $0x400  }
0x4c: {  	[sflag:s11] =	ssyncset.done $0x0  }
0x4d: {  	[sflag:s11] =	ssyncadd.s32 $0xFFFFFC00  }
0x4e: {  	[spmem:s2] =	stream.indirect.scatter.add.f32 [tilespmem:s14], [sflag:$0x1], $0x8, s13, s13, $0xb8;
	[tilespmem:$0x85C0] =	vst v63  }
0x4f: {  	_ =	swait.ge [sflag:s11], $0x400  }
0x50: {  	[sflag:s11] =	ssyncset.done $0x0  }
0x51: {  	[sflag:s11] =	ssyncadd.s32 $0xFFFFFC00  }
0x52: {  	[spmem:s2] =	stream.indirect.scatter.add.f32 [tilespmem:s16], [sflag:$0x1], $0x8, s15, s13, $0xb8;
	[tilespmem:$0x85C0] =	vst v63  }
0x53: {  	_ =	swait.ge [sflag:s11], $0x400  }
0x54: {  	[sflag:s11] =	ssyncset.done $0x0  }
0x55: {  	[sflag:s11] =	ssyncadd.s32 $0xFFFFFC00  }
0x56: {  	[spmem:s2] =	stream.indirect.scatter.add.f32 [tilespmem:s18], [sflag:$0x1], $0x8, s17, s13, $0xb8;
	[tilespmem:$0x85C0] =	vst v63  }
0x57: {  	_ =	swait.ge [sflag:s11], $0x400  }
0x58: {  	[sflag:s11] =	ssyncset.done $0x0  }
0x59: {  	[sflag:s11] =	ssyncadd.s32 $0xFFFFFC00  }
0x5a: {  	[spmem:s2] =	stream.indirect.scatter.add.f32 [tilespmem:s20], [sflag:$0x1], $0x8, s19, s13, $0xb8;
	[tilespmem:$0x85C0] =	vst v63  }
0x5b: {  	_ =	swait.ge [sflag:s11], $0x400  }
0x5c: {  	[sflag:s11] =	ssyncset.done $0x0  }
0x5d: {  	[sflag:s11] =	ssyncadd.s32 $0xFFFFFC00  }
0x5e: {  	[spmem:s2] =	stream.indirect.scatter.add.f32 [tilespmem:s22], [sflag:$0x1], $0x8, s21, s13, $0xb8;
	[tilespmem:$0x85C0] =	vst v63  }
0x5f: {  	_ =	swait.ge [sflag:s11], $0x400  }
0x60: {  	[sflag:s11] =	ssyncset.done $0x0  }
0x61: {  	[sflag:s11] =	ssyncadd.s32 $0xFFFFFC00  }
0x62: {  	[spmem:s2] =	stream.indirect.scatter.add.f32 [tilespmem:s24], [sflag:$0x1], $0x8, s23, s13, $0xb8;
	[tilespmem:$0x85C0] =	vst v63  }
0x63: {  	_ =	swait.ge [sflag:s11], $0x400  }
.Ltmp0:
0x64: {  	[sflag:s11] =	ssyncset.done $0x0;
	(pc) =	sbr.rel @p0 .LBB2_2-.Ltmp0, $4  }
0x65: {  	[sflag:s11] =	ssyncadd.s32 $0xFFFFFC00  }
0x66: {  	[spmem:s2] =	stream.indirect.scatter.add.f32 [tilespmem:s26], [sflag:$0x1], $0x8, s25, s13, $0xb8;
	[tilespmem:$0x85C0] =	vst v63  }
0x67: {  	_ =	swait.ge [sflag:s11], $0x400  }
0x68: {  	s31 =	smov.u32 s0;
	s29 =	sadd.s32 $0x400, s29;
	[sflag:s11] =	ssyncset.done $0x0  }
0x69: {  	s0 =	sadd.s32 s30, s9;
	[sflag:s11] =	ssyncadd.s32 $0xFFFFFC00  }
0x6a: {  	[tilespmem:s3], [sflag:$0x1] =	stream.linear.gather [hbm4b:s0+s3], $0x400, $0x38;
	[tilespmem:$0x85C0] =	vst v63  }
0x6b: {  	_ =	swait.ge [sflag:s11], $0x400  }
0x6c: {  	[sflag:s11] =	ssyncset.done $0x0  }
0x6d: {  	[sflag:s11] =	ssyncadd.s32 $0xFFFFFC00  }
0x6e: {  	[tilespmem:s12], [sflag:$0x1] =	stream.linear.gather [hbm4b:s29+s3], $0x2000, $0x38;
	[tilespmem:$0x85C0] =	vst v63  }
0x6f: {  	_ =	swait.ge [sflag:s11], $0x2000  }
0x70: {  	[sflag:s11] =	ssyncset.done $0x0  }
0x71: {  	[sflag:s11] =	ssyncadd.s32 $0xFFFFE000  }
0x72: {  	[spmem:s2] =	stream.indirect.scatter.add.f32 [tilespmem:s12], [sflag:$0x1], $0x8, s3, s13, $0xb8;
	[tilespmem:$0x85C0] =	vst v63  }
0x73: {  	_ =	swait.ge [sflag:s11], $0x400  }
0x74: {  	[sflag:s11] =	ssyncset.done $0x0  }
0x75: {  	[sflag:s11] =	ssyncadd.s32 $0xFFFFFC00  }
0x76: {  	[spmem:s2] =	stream.indirect.scatter.add.f32 [tilespmem:s14], [sflag:$0x1], $0x8, s13, s13, $0xb8;
	[tilespmem:$0x85C0] =	vst v63  }
0x77: {  	_ =	swait.ge [sflag:s11], $0x400  }
0x78: {  	[sflag:s11] =	ssyncset.done $0x0  }
0x79: {  	[sflag:s11] =	ssyncadd.s32 $0xFFFFFC00  }
0x7a: {  	[spmem:s2] =	stream.indirect.scatter.add.f32 [tilespmem:s16], [sflag:$0x1], $0x8, s15, s13, $0xb8;
	[tilespmem:$0x85C0] =	vst v63  }
0x7b: {  	_ =	swait.ge [sflag:s11], $0x400  }
0x7c: {  	[sflag:s11] =	ssyncset.done $0x0  }
0x7d: {  	[sflag:s11] =	ssyncadd.s32 $0xFFFFFC00  }
0x7e: {  	[spmem:s2] =	stream.indirect.scatter.add.f32 [tilespmem:s18], [sflag:$0x1], $0x8, s17, s13, $0xb8;
	[tilespmem:$0x85C0] =	vst v63  }
0x7f: {  	_ =	swait.ge [sflag:s11], $0x400  }
0x80: {  	[sflag:s11] =	ssyncset.done $0x0  }
0x81: {  	[sflag:s11] =	ssyncadd.s32 $0xFFFFFC00  }
0x82: {  	[spmem:s2] =	stream.indirect.scatter.add.f32 [tilespmem:s20], [sflag:$0x1], $0x8, s19, s13, $0xb8;
	[tilespmem:$0x85C0] =	vst v63  }
0x83: {  	_ =	swait.ge [sflag:s11], $0x400  }
0x84: {  	[sflag:s11] =	ssyncset.done $0x0  }
0x85: {  	[sflag:s11] =	ssyncadd.s32 $0xFFFFFC00  }
0x86: {  	[spmem:s2] =	stream.indirect.scatter.add.f32 [tilespmem:s22], [sflag:$0x1], $0x8, s21, s13, $0xb8;
	[tilespmem:$0x85C0] =	vst v63  }
0x87: {  	_ =	swait.ge [sflag:s11], $0x400  }
0x88: {  	[sflag:s11] =	ssyncset.done $0x0  }
0x89: {  	[sflag:s11] =	ssyncadd.s32 $0xFFFFFC00  }
0x8a: {  	[spmem:s2] =	stream.indirect.scatter.add.f32 [tilespmem:s24], [sflag:$0x1], $0x8, s23, s13, $0xb8;
	[tilespmem:$0x85C0] =	vst v63  }
0x8b: {  	_ =	swait.ge [sflag:s11], $0x400  }
0x8c: {  	[sflag:s11] =	ssyncset.done $0x0  }
0x8d: {  	[sflag:s11] =	ssyncadd.s32 $0xFFFFFC00  }
0x8e: {  	[spmem:s2] =	stream.indirect.scatter.add.f32 [tilespmem:s26], [sflag:$0x1], $0x8, s25, s13, $0xb8;
	[tilespmem:$0x85C0] =	vst v63  }
0x8f: {  	_ =	swait.ge [sflag:s11], $0x400  }
0x90: {  	s28 =	sadd.s32 $0x1, s28;
	[sflag:s11] =	ssyncset.done $0x0  }
0x91: {  	p0 =	sne.s32 s28, s7;
	[sflag:s11] =	ssyncadd.s32 $0xFFFFFC00  }
.Ltmp1:
0x92: {  	[bflag:$0x0] =	sbarrier.arrive $0xFFFF;
	(pc) =	sbr.rel @p0 .LBB2_1-.Ltmp1, $4  }
0x93: {  	[hbm:s6], [sflag:s5] =	dma.local [spmem:s10], $0xC38  }
0x94: {  	_ =	swait.ge [sflag:s11], $0xC38  }
0x95: {  	[sflag:s11] =	ssyncset.done $0x0  }
0x96: {  	[sflag:s11] =	ssyncadd.s32 $0xFFFFF3C8  }
0x97: {  	_ =	sfence.sel $0x180000  }
0x98: {  	[bflag:$0x0] =	sbarrier.arrive $0xFFFF  }
0x99: {  	_ =	strace $0x90000047  }
0x9a: {  	s0 =	stileid.u32;
	[bflag:$0x2] =	sbarrier.arrive $0xFFFF  }
0x9b: {  	p0 =	sne.s32 s0, $0x0;
	s0 =	rddreg [dreg:$0x4]  }
0x9c: {  	s0 =	sadd.s32 @!p0 $0x100000, s0  }
0x9d: {  	[sflag:s0] =	ssyncadd.tile.s32 @!p0 $0x1;
	_ =	shalt  }
.Lfunc_end2:
_tile_overlayer_lowered:
.L_overlay_start_2:
0x9e: {  	(tag) =	ssettag $0x2  }
0x9f: {  	s0 =	rddreg [dreg:$0x0];
	s2 =	stileid.u32  }
0xa0: {  	s1 =	rddreg [dreg:$0x1];
	p0 =	sne.s32 s2, $0x0  }
0xa1: {  	s3 =	rddreg [dreg:$0x2];
	[bflag:$0x3] =	sbarrier.arrive $0xFFFF;
	s2 =	simm.s32 @!p0 $0x1C01  }
0xa2: {  	[timem:s3], [sflag:s2] =	dma.local @!p0 [hbm:s0], s1  }
0xa3: {  	s0 =	simm.s32 @!p0 $0x1  }
0xa4: {  	_ =	swait.ge @!p0 [sflag:s0], s1  }
0xa5: {  	s1 =	ssub.s32 @!p0 $0x0, s1;
	[sflag:s0] =	ssyncset.done @!p0 $0x0  }
0xa6: {  	[sflag:s0] =	ssyncadd.s32 @!p0 s1  }
0xa7: {  	[bflag:$0x3] =	sbarrier.arrive $0xFFFF  }
0xa8: {  	_ =	shalt  }

</sc_bundles>
